<compile_context>
chip_gen: v7x
topology: tpu7x:2x2x1
jax: 0.10.2.dev20260603
libtpu: 0.0.44.dev20260713+nightly
codegen_flags: <defaults>
</compile_context>

<pallas_src>
import functools

import jax
import jax.numpy as jnp
from jax import lax
from jax.experimental import pallas as pl
from jax.experimental.pallas import tpu as pltpu
from jax.experimental.pallas import tpu_sc as plsc

F32 = jnp.float32
I32 = jnp.int32

NC = 2
NS = 16
NW = NC * NS
CH = 128
SCH = 64


def _ceil_to(x, m):
    return (x + m - 1) // m * m



def _tc1_body(res_ref, meta_ref, w2a_ref, w1a_ref, w1b_ref,
              pres_ref, qres_ref, tsec_ref):
    D = res_ref.shape[1]
    res = res_ref[...]
    meta = meta_ref[...]
    pres_ref[...] = jnp.dot(res, w2a_ref[...], preferred_element_type=F32)
    qres_ref[...] = jnp.dot(res, w1a_ref[...], preferred_element_type=F32)
    tsec_ref[:, :D] = jnp.dot(meta, w1b_ref[...], preferred_element_type=F32)
    tsec_ref[:, D:] = meta


def _tc2_body(g1_ref, mg_ref, vec_ref, w2b_ref, wv_ref, b1_ref, w2_ref, b2_ref,
              out_ref):
    mg = mg_ref[...]
    h = (g1_ref[...] + jnp.dot(mg, w2b_ref[...], preferred_element_type=F32)
         + jnp.dot(vec_ref[...], wv_ref[...], preferred_element_type=F32)
         + b1_ref[...])
    h = jnp.maximum(h, 0.0)
    g = jnp.dot(h, w2_ref[...], preferred_element_type=F32) + b2_ref[...]
    out_ref[...] = g * mg


def _tc3_body(res_ref, gsec_ref, qres_ref, pe_ref, ps_ref, pc_ref,
              w1v_ref, b1g_ref, w1w2_ref, b2g_ref,
              fw1_ref, fb1_ref, fw2_ref, fb2_ref, out_ref):
    D = res_ref.shape[1]
    gsec = gsec_ref[...]
    u = (qres_ref[...] + gsec[:, :D]
         + jnp.dot(pe_ref[...], w1v_ref[...], preferred_element_type=F32)
         + b1g_ref[...])
    u = jnp.maximum(u, 0.0)
    gate1 = jnp.dot(u, w1w2_ref[...], preferred_element_type=F32) + b2g_ref[...]
    sums = ps_ref[0] + ps_ref[1]
    cnt = pc_ref[0, :, 0:1] + pc_ref[1, :, 0:1]
    mean = sums / jnp.maximum(cnt, 1.0)
    fused = res_ref[...] + gate1 * gsec[:, D:] + mean
    hh = jnp.maximum(
        jnp.dot(fused, fw1_ref[...], preferred_element_type=F32) + fb1_ref[...], 0.0)
    out_ref[...] = jnp.dot(hh, fw2_ref[...], preferred_element_type=F32) + fb2_ref[...]



def _make_sc_gather(Epad, EPW, Np, NPW, D):
    mesh = plsc.VectorSubcoreMesh(core_axis_name="c", subcore_axis_name="s")
    TOT = Epad // CH
    PERC = TOT // NS
    N0 = max(1, round(PERC * 0.419))
    N1 = PERC - N0

    @functools.partial(
        pl.kernel, mesh=mesh,
        out_type=(
            jax.ShapeDtypeStruct((Epad, D), F32),
            jax.ShapeDtypeStruct((Epad, D), F32),
            jax.ShapeDtypeStruct((Np, 2 * D), F32),
        ),
        scratch_types=[
            pltpu.VMEM((CH,), I32),
            pltpu.VMEM((CH,), I32),
            pltpu.VMEM((SCH,), I32),
            pltpu.VMEM((CH, D), F32),
            pltpu.VMEM((CH, D), F32),
            pltpu.VMEM((SCH, 2 * D), F32),
            pltpu.SemaphoreType.DMA,
            pltpu.SemaphoreType.DMA,
        ],
    )
    def sc_gather(pres_hbm, tsrc_hbm, tsec_hbm, src_hbm, dst_hbm, sec_hbm,
                  g1_hbm, g2_hbm, gsec_hbm,
                  idx_d, idx_s, idx_n, bufa, bufb, bufn, sem1, sem2):
        c = lax.axis_index("c")
        s = lax.axis_index("s")
        wid = s * NC + c
        is0 = c == 0
        nchunk = jnp.where(is0, N0, N1)
        cstart = jnp.where(is0, s * N0, NS * N0 + s * N1)

        def edge_chunk(k, carry):
            off = pl.multiple_of((cstart + k) * CH, CH)
            pltpu.sync_copy(dst_hbm.at[pl.ds(off, CH)], idx_d)
            pltpu.sync_copy(src_hbm.at[pl.ds(off, CH)], idx_s)
            cp1 = pltpu.async_copy(pres_hbm.at[idx_d], bufa, sem1)
            cp2 = pltpu.async_copy(tsrc_hbm.at[idx_s], bufb, sem2)
            cp1.wait()
            cp2.wait()
            pltpu.sync_copy(bufa, g1_hbm.at[pl.ds(off, CH)])
            pltpu.sync_copy(bufb, g2_hbm.at[pl.ds(off, CH)])
            return carry

        lax.fori_loop(0, nchunk, edge_chunk, 0)

        nbase = wid * NPW

        def sec_chunk(j, carry):
            off = pl.multiple_of(nbase + j * SCH, SCH)
            pltpu.sync_copy(sec_hbm.at[pl.ds(off, SCH)], idx_n)
            pltpu.async_copy(tsec_hbm.at[idx_n], bufn, sem1).wait()
            pltpu.sync_copy(bufn, gsec_hbm.at[pl.ds(off, SCH)])
            return carry

        lax.fori_loop(0, NPW // SCH, sec_chunk, 0)

    return sc_gather


def _make_sc_scatter(Epad, EPW, NA, D):
    mesh = plsc.VectorSubcoreMesh(core_axis_name="c", subcore_axis_name="s")
    RPS = NA // NS
    CW = 16

    @functools.partial(
        pl.kernel, mesh=mesh,
        compiler_params=pltpu.CompilerParams(use_tc_tiling_on_sc=False),
        out_type=(
            jax.ShapeDtypeStruct((NC, NA, D), F32),
            jax.ShapeDtypeStruct((NC, NA, CW), F32),
        ),
        scratch_types=[
            pltpu.VMEM_SHARED((NA, D), F32),
            pltpu.VMEM_SHARED((NA, CW), F32),
            pltpu.VMEM((CH,), I32),
            pltpu.VMEM((CH, D), F32),
            pltpu.VMEM((CH, CW), F32),
        ],
    )
    def sc_scatter(contrib_hbm, dst_hbm, zsum_hbm, zcnt_hbm, ones_hbm,
                   sums_hbm, cnts_hbm, acc, cacc, idx, buf, ones):
        c = lax.axis_index("c")
        s = lax.axis_index("s")
        wid = s * NC + c

        @pl.when(s == 0)
        def _():
            pltpu.sync_copy(zsum_hbm, acc)
            pltpu.sync_copy(zcnt_hbm, cacc)

        pltpu.sync_copy(ones_hbm, ones)
        plsc.subcore_barrier()

        ebase = wid * EPW

        def edge_chunk(k, carry):
            off = pl.multiple_of(ebase + k * CH, CH)
            pltpu.sync_copy(dst_hbm.at[pl.ds(off, CH)], idx)
            pltpu.sync_copy(contrib_hbm.at[pl.ds(off, CH)], buf)
            pltpu.sync_copy(buf, acc.at[idx], add=True)
            pltpu.sync_copy(ones, cacc.at[idx], add=True)
            return carry

        lax.fori_loop(0, EPW // CH, edge_chunk, 0)
        plsc.subcore_barrier()

        r0 = s * RPS
        for j in range(RPS // CH):
            row = r0 + j * CH
            pltpu.sync_copy(acc.at[pl.ds(row, CH)], sums_hbm.at[c, pl.ds(row, CH)])
            pltpu.sync_copy(cacc.at[pl.ds(row, CH)], cnts_hbm.at[c, pl.ds(row, CH)])

    return sc_scatter



def kernel(res_feat, meta_feat, sec_ids, batch_pe_vector, batch_meta_2_node_edge,
           batch_meta_2_node_vector, g1_w1, g1_b1, g1_w2, g1_b2,
           g2_w1, g2_b1, g2_w2, g2_b2, f_w1, f_b1, f_w2, f_b2):
    N, D = res_feat.shape
    M = meta_feat.shape[0]
    E = batch_meta_2_node_edge.shape[1]
    assert D % 16 == 0

    EPW = _ceil_to(-(-E // NW), CH)
    Epad = EPW * NW
    NPW = _ceil_to(-(-N // NW), SCH)
    Np = NPW * NW
    NA = Np
    assert NA % (NS * CH) == 0 and NA >= N + 1 and NA >= M
    BN = 512
    assert Np % BN == 0 and Epad % BN == 0

    edges = batch_meta_2_node_edge.astype(I32)
    src_p = jnp.pad(edges[0], (0, Epad - E))
    dst_p = jnp.pad(edges[1], (0, Epad - E), constant_values=N)
    vec_p = jnp.zeros((Epad, 8), F32).at[:E, :3].set(batch_meta_2_node_vector)
    sec_p = jnp.pad(sec_ids.astype(I32), (0, Np - N))
    res_p = jnp.pad(res_feat, ((0, Np - N), (0, 0)))
    meta_p = jnp.pad(meta_feat, ((0, Np - M), (0, 0)))
    pe_p = jnp.zeros((Np, 8), F32).at[:N, :3].set(batch_pe_vector)
    w2v_p = jnp.zeros((8, D), F32).at[:3].set(g2_w1[2 * D:])
    w1v_n = jnp.zeros((8, D), F32).at[:3].set(-g1_w1[2 * D:])
    b1g = g1_b1.reshape(1, D)
    b2g = g1_b2.reshape(1, D)
    b1e = g2_b1.reshape(1, D)
    b2e = g2_b2.reshape(1, D)
    fb1 = f_b1.reshape(1, D)
    fb2 = f_b2.reshape(1, D)

    cparams = pltpu.CompilerParams(dimension_semantics=("arbitrary",))

    full = lambda i: (0, 0)
    row_blk = pl.BlockSpec((BN, D), lambda i: (i, 0))
    row_blk2 = pl.BlockSpec((BN, 2 * D), lambda i: (i, 0))
    wspec = pl.BlockSpec((D, D), full)
    p_res, q_res, t_sec = pl.pallas_call(
        _tc1_body,
        grid=(Np // BN,),
        in_specs=[row_blk, row_blk, wspec, wspec, wspec],
        out_specs=[row_blk, row_blk, row_blk2],
        out_shape=[
            jax.ShapeDtypeStruct((Np, D), F32),
            jax.ShapeDtypeStruct((Np, D), F32),
            jax.ShapeDtypeStruct((Np, 2 * D), F32),
        ],
        compiler_params=cparams,
    )(res_p, meta_p, g2_w1[:D], g1_w1[:D], g1_w1[D:2 * D])

    sc_gather = _make_sc_gather(Epad, EPW, Np, NPW, D)
    g1e, mge, gsec = sc_gather(p_res, meta_p, t_sec, src_p, dst_p, sec_p)

    BE = 1024
    assert Epad % BE == 0
    erow_blk = pl.BlockSpec((BE, D), lambda i: (i, 0))
    contrib = pl.pallas_call(
        _tc2_body,
        grid=(Epad // BE,),
        in_specs=[
            erow_blk, erow_blk,
            pl.BlockSpec((BE, 8), lambda i: (i, 0)),
            wspec,
            pl.BlockSpec((8, D), full),
            pl.BlockSpec((1, D), full),
            wspec,
            pl.BlockSpec((1, D), full),
        ],
        out_specs=erow_blk,
        out_shape=jax.ShapeDtypeStruct((Epad, D), F32),
        compiler_params=cparams,
    )(g1e, mge, vec_p, g2_w1[D:2 * D], w2v_p, b1e, g2_w2, b2e)

    sc_scatter = _make_sc_scatter(Epad, EPW, NA, D)
    zsum = jnp.zeros((NA, D), F32)
    zcnt = jnp.zeros((NA, 16), F32)
    ones_rows = jnp.ones((CH, 16), F32)
    psums, pcnts = sc_scatter(contrib, dst_p, zsum, zcnt, ones_rows)

    out_p = pl.pallas_call(
        _tc3_body,
        grid=(Np // BN,),
        in_specs=[
            row_blk, row_blk2, row_blk,
            pl.BlockSpec((BN, 8), lambda i: (i, 0)),
            pl.BlockSpec((NC, BN, D), lambda i: (0, i, 0)),
            pl.BlockSpec((NC, BN, 16), lambda i: (0, i, 0)),
            pl.BlockSpec((8, D), full),
            pl.BlockSpec((1, D), full),
            wspec,
            pl.BlockSpec((1, D), full),
            wspec,
            pl.BlockSpec((1, D), full),
            wspec,
            pl.BlockSpec((1, D), full),
        ],
        out_specs=row_blk,
        out_shape=jax.ShapeDtypeStruct((Np, D), F32),
        compiler_params=cparams,
    )(res_p, gsec, q_res, pe_p, psums, pcnts,
      w1v_n, b1g, g1_w2, b2g, f_w1, fb1, f_w2, fb2)

    return out_p[:N]

# --- scband reference (transcript-rebuilt; emitter-appended) ---
"""Pipeline reference for scband-gated-meta-fusion-59931973649030 (READ-ONLY COPY).

The authoritative reference and input builder live on the scoring server;
editing this copy changes nothing except your own understanding.
"""

import jax, jax.numpy as jnp
import numpy as np

N = 10000
M = 10000
E = 320000
DIM = 128


def _mlp2(x, w1, b1, w2, b2):
    return jax.nn.relu(x @ w1 + b1) @ w2 + b2


def setup_inputs(seed: int = 0) -> dict:
    key = jax.random.key(seed)
    ks = jax.random.split(key, 20)
    res_feat = jax.random.normal(ks[0], (N, DIM), dtype=jnp.float32)
    meta_feat = jax.random.normal(ks[1], (M, DIM), dtype=jnp.float32)
    sec_ids = jax.random.randint(ks[2], (N,), 0, M)
    batch_pe_vector = jax.random.normal(ks[3], (N, 3), dtype=jnp.float32)
    batch_meta_2_node_edge = jax.random.randint(ks[4], (2, E), 0, M)
    batch_meta_2_node_vector = jax.random.normal(ks[5], (E, 3), dtype=jnp.float32)
    d_in = 2 * DIM + 3
    s1 = 1.0 / float(np.sqrt(d_in))
    s2 = 1.0 / float(np.sqrt(DIM))
    inp = {
        'res_feat': res_feat,
        'meta_feat': meta_feat,
        'sec_ids': sec_ids,
        'batch_pe_vector': batch_pe_vector,
        'batch_meta_2_node_edge': batch_meta_2_node_edge,
        'batch_meta_2_node_vector': batch_meta_2_node_vector,
        'g1_w1': jax.random.uniform(ks[6], (d_in, DIM), jnp.float32, -s1, s1),
        'g1_b1': jax.random.uniform(ks[7], (DIM,), jnp.float32, -s1, s1),
        'g1_w2': jax.random.uniform(ks[8], (DIM, DIM), jnp.float32, -s2, s2),
        'g1_b2': jax.random.uniform(ks[9], (DIM,), jnp.float32, -s2, s2),
        'g2_w1': jax.random.uniform(ks[10], (d_in, DIM), jnp.float32, -s1, s1),
        'g2_b1': jax.random.uniform(ks[11], (DIM,), jnp.float32, -s1, s1),
        'g2_w2': jax.random.uniform(ks[12], (DIM, DIM), jnp.float32, -s2, s2),
        'g2_b2': jax.random.uniform(ks[13], (DIM,), jnp.float32, -s2, s2),
        'f_w1': jax.random.uniform(ks[14], (DIM, DIM), jnp.float32, -s2, s2),
        'f_b1': jax.random.uniform(ks[15], (DIM,), jnp.float32, -s2, s2),
        'f_w2': jax.random.uniform(ks[16], (DIM, DIM), jnp.float32, -s2, s2),
        'f_b2': jax.random.uniform(ks[17], (DIM,), jnp.float32, -s2, s2),
    }
    return inp


def reference(res_feat, meta_feat, sec_ids, batch_pe_vector, batch_meta_2_node_edge, batch_meta_2_node_vector, g1_w1, g1_b1, g1_w2, g1_b2, g2_w1, g2_b1, g2_w2, g2_b2, f_w1, f_b1, f_w2, f_b2):
    # gate 1: per-node gating using section-level meta broadcast (gather)
    meta_broadcast = jnp.take(meta_feat, sec_ids, axis=0)
    gate1_input = jnp.concatenate([res_feat, meta_broadcast, -1.0 * batch_pe_vector], axis=-1)
    gate1_weight = _mlp2(gate1_input, g1_w1, g1_b1, g1_w2, g1_b2)
    # gate 2: per-edge gating (meta -> node edges)
    src = batch_meta_2_node_edge[0]
    dst = batch_meta_2_node_edge[1]
    meta_add_broadcast = jnp.take(meta_feat, src, axis=0)
    res_broadcast = jnp.take(res_feat, dst, axis=0)
    gate2_input = jnp.concatenate([res_broadcast, meta_add_broadcast, batch_meta_2_node_vector], axis=-1)
    gate2_weight = _mlp2(gate2_input, g2_w1, g2_b1, g2_w2, g2_b2)
    meta_add_fea = gate2_weight * meta_add_broadcast
    # scatter_mean over destination nodes
    sums = jax.ops.segment_sum(meta_add_fea, dst, num_segments=N)
    counts = jax.ops.segment_sum(jnp.ones((E,), dtype=jnp.float32), dst, num_segments=N)
    meta_add_mean = sums / jnp.clip(counts, 1.0, None)[:, None]
    fused = res_feat + gate1_weight * meta_broadcast + meta_add_mean
    out = _mlp2(fused, f_w1, f_b1, f_w2, f_b2)
    return out

if __name__ == "__main__":
    import jax
    _d = setup_inputs()
    print(jax.jit(kernel)(*tuple(_d.values())))

</pallas_src>

<mosaic_0001>
#map = affine_map<(d0, d1) -> (0, 0)>
#map1 = affine_map<(d0, d1) -> (0)>
module attributes {stable_mosaic.version = 14 : i64} {
  func.func @sc_gather(%arg0: i32, %arg1: i32, %arg2: memref<10240x128xf32, #tpu.memory_space<hbm>>, %arg3: memref<10240x128xf32, #tpu.memory_space<hbm>>, %arg4: memref<10240x256xf32, #tpu.memory_space<hbm>>, %arg5: memref<323584xi32, #tpu.memory_space<hbm>>, %arg6: memref<323584xi32, #tpu.memory_space<hbm>>, %arg7: memref<10240xi32, #tpu.memory_space<hbm>>, %arg8: memref<323584x128xf32, #tpu.memory_space<hbm>>, %arg9: memref<323584x128xf32, #tpu.memory_space<hbm>>, %arg10: memref<10240x256xf32, #tpu.memory_space<hbm>>, %arg11: memref<128xi32, #tpu.memory_space<vmem>>, %arg12: memref<128xi32, #tpu.memory_space<vmem>>, %arg13: memref<64xi32, #tpu.memory_space<vmem>>, %arg14: memref<128x128xf32, #tpu.memory_space<vmem>>, %arg15: memref<128x128xf32, #tpu.memory_space<vmem>>, %arg16: memref<64x256xf32, #tpu.memory_space<vmem>>, %arg17: memref<!tpu.dma_semaphore, #tpu.memory_space<semaphore_mem>>, %arg18: memref<!tpu.dma_semaphore, #tpu.memory_space<semaphore_mem>>) attributes {dimension_semantics = [#tpu.dimension_semantics<core_parallel>, #tpu.dimension_semantics<subcore_parallel>], iteration_bounds = array<i64: 2, 16>, scalar_prefetch = 0 : i64, scratch_operands = 8 : i64, tpu.core_type = #tpu.core_type<sc_vector_subcore>, window_params = [{transform_indices = #map}, {transform_indices = #map}, {transform_indices = #map}, {transform_indices = #map1}, {transform_indices = #map1}, {transform_indices = #map1}, {transform_indices = #map}, {transform_indices = #map}, {transform_indices = #map}]} {
    %mul3A = arith.constant 2 : i32
    %mul3A_0 = arith.muli %arg1, %mul3A : i32
    %add3A = arith.addi %mul3A_0, %arg0 : i32
    %eq3A = arith.constant 0 : i32
    %eq3A_1 = arith.cmpi eq, %arg0, %eq3A : i32
    %jit3A = arith.constant 66 : i32
    %jit3A_2 = arith.constant 92 : i32
    %select_n3A = arith.select %eq3A_1, %jit3A, %jit3A_2 : i32
    %mul3A_3 = arith.constant 66 : i32
    %mul3A_4 = arith.muli %arg1, %mul3A_3 : i32
    %mul3A_5 = arith.constant 92 : i32
    %mul3A_6 = arith.muli %arg1, %mul3A_5 : i32
    %add3A_7 = arith.constant 1056 : i32
    %add3A_8 = arith.addi %add3A_7, %mul3A_6 : i32
    %select_n3A_9 = arith.select %eq3A_1, %mul3A_4, %add3A_8 : i32
    %while3A = arith.constant 0 : i32
    %while3A_10 = arith.constant 0 : i32
    %while3A_11 = arith.subi %select_n3A, %while3A_10 : i32
    %while3A_12 = arith.addi %while3A_10, %while3A_11 : i32
    %while3A_13 = arith.constant 1 : i32
    %while3A_14 = arith.divsi %while3A_11, %while3A_13 : i32
    %while3A_15 = arith.muli %while3A_14, %while3A_13 : i32
    %while3A_16 = arith.addi %while3A_10, %while3A_15 : i32
    %while3A_17 = arith.constant 1 : i32
    scf.for %while3A_26 = %while3A_10 to %while3A_16 step %while3A_17  : i32 {
      %add3A_27 = arith.addi %select_n3A_9, %while3A_26 : i32
      %mul3A_28 = arith.constant 128 : i32
      %mul3A_29 = arith.muli %add3A_27, %mul3A_28 : i32
      %multiple_of3A = tpu.assume_multiple %mul3A_29, 128 : i32
      "tpu.region"() ({
        %run_scoped3A = tpu.sem_alloc : memref<!tpu.dma_semaphore, #tpu.memory_space<semaphore_mem>>
        %dma_start3A_40 = tpu.memref_slice %arg6[%multiple_of3A] : memref<323584xi32, #tpu.memory_space<hbm>> -> memref<128xi32, #tpu.memory_space<hbm>>
        %dma_start3A_41 = tpu.memref_slice %arg6[%multiple_of3A] : memref<323584xi32, #tpu.memory_space<hbm>> -> memref<128xi32, #tpu.memory_space<hbm>>
        tpu.enqueue_dma source(%dma_start3A_41 : memref<128xi32, #tpu.memory_space<hbm>>) target(%arg11 : memref<128xi32, #tpu.memory_space<vmem>>) target_semaphore(%run_scoped3A : memref<!tpu.dma_semaphore, #tpu.memory_space<semaphore_mem>>)
        %dma_wait3A_42 = tpu.memref_slice %arg6[%multiple_of3A] : memref<323584xi32, #tpu.memory_space<hbm>> -> memref<128xi32, #tpu.memory_space<hbm>>
        %dma_wait3A_43 = tpu.memref_slice %arg6[%multiple_of3A] : memref<323584xi32, #tpu.memory_space<hbm>> -> memref<128xi32, #tpu.memory_space<hbm>>
        tpu.wait_dma2 semaphore(%run_scoped3A : memref<!tpu.dma_semaphore, #tpu.memory_space<semaphore_mem>>) src(%dma_wait3A_43 : memref<128xi32, #tpu.memory_space<hbm>>) dst(%arg11 : memref<128xi32, #tpu.memory_space<vmem>>)
        tpu.yield
      }) : () -> ()
      "tpu.region"() ({
        %run_scoped3A = tpu.sem_alloc : memref<!tpu.dma_semaphore, #tpu.memory_space<semaphore_mem>>
        %dma_start3A_40 = tpu.memref_slice %arg5[%multiple_of3A] : memref<323584xi32, #tpu.memory_space<hbm>> -> memref<128xi32, #tpu.memory_space<hbm>>
        %dma_start3A_41 = tpu.memref_slice %arg5[%multiple_of3A] : memref<323584xi32, #tpu.memory_space<hbm>> -> memref<128xi32, #tpu.memory_space<hbm>>
        tpu.enqueue_dma source(%dma_start3A_41 : memref<128xi32, #tpu.memory_space<hbm>>) target(%arg12 : memref<128xi32, #tpu.memory_space<vmem>>) target_semaphore(%run_scoped3A : memref<!tpu.dma_semaphore, #tpu.memory_space<semaphore_mem>>)
        %dma_wait3A_42 = tpu.memref_slice %arg5[%multiple_of3A] : memref<323584xi32, #tpu.memory_space<hbm>> -> memref<128xi32, #tpu.memory_space<hbm>>
        %dma_wait3A_43 = tpu.memref_slice %arg5[%multiple_of3A] : memref<323584xi32, #tpu.memory_space<hbm>> -> memref<128xi32, #tpu.memory_space<hbm>>
        tpu.wait_dma2 semaphore(%run_scoped3A : memref<!tpu.dma_semaphore, #tpu.memory_space<semaphore_mem>>) src(%dma_wait3A_43 : memref<128xi32, #tpu.memory_space<hbm>>) dst(%arg12 : memref<128xi32, #tpu.memory_space<vmem>>)
        tpu.yield
      }) : () -> ()
      %dma_start3A = arith.constant 0 : i32
      %dma_start3A_30 = arith.constant 0 : i32
      %dma_start3A_31 = tpu.memref_slice %arg2[%dma_start3A, %dma_start3A_30] : memref<10240x128xf32, #tpu.memory_space<hbm>> -> memref<10240x128xf32, #tpu.memory_space<hbm>>
      tpu.enqueue_indirect_dma source(%dma_start3A_31 : memref<10240x128xf32, #tpu.memory_space<hbm>>) target(%arg14 : memref<128x128xf32, #tpu.memory_space<vmem>>) offsets(%arg11 : memref<128xi32, #tpu.memory_space<vmem>>) semaphore(%arg17 : memref<!tpu.dma_semaphore, #tpu.memory_space<semaphore_mem>>)
      %dma_start3A_32 = arith.constant 0 : i32
      %dma_start3A_33 = arith.constant 0 : i32
      %dma_start3A_34 = tpu.memref_slice %arg3[%dma_start3A_32, %dma_start3A_33] : memref<10240x128xf32, #tpu.memory_space<hbm>> -> memref<10240x128xf32, #tpu.memory_space<hbm>>
      tpu.enqueue_indirect_dma source(%dma_start3A_34 : memref<10240x128xf32, #tpu.memory_space<hbm>>) target(%arg15 : memref<128x128xf32, #tpu.memory_space<vmem>>) offsets(%arg12 : memref<128xi32, #tpu.memory_space<vmem>>) semaphore(%arg18 : memref<!tpu.dma_semaphore, #tpu.memory_space<semaphore_mem>>)
      %dma_wait3A = arith.constant 0 : i32
      %dma_wait3A_35 = arith.constant 0 : i32
      %dma_wait3A_36 = tpu.memref_slice %arg2[%dma_wait3A, %dma_wait3A_35] : memref<10240x128xf32, #tpu.memory_space<hbm>> -> memref<10240x128xf32, #tpu.memory_space<hbm>>
      tpu.wait_indirect_dma semaphore(%arg17 : memref<!tpu.dma_semaphore, #tpu.memory_space<semaphore_mem>>) src(%dma_wait3A_36 : memref<10240x128xf32, #tpu.memory_space<hbm>>) dst(%arg14 : memref<128x128xf32, #tpu.memory_space<vmem>>)
      %dma_wait3A_37 = arith.constant 0 : i32
      %dma_wait3A_38 = arith.constant 0 : i32
      %dma_wait3A_39 = tpu.memref_slice %arg3[%dma_wait3A_37, %dma_wait3A_38] : memref<10240x128xf32, #tpu.memory_space<hbm>> -> memref<10240x128xf32, #tpu.memory_space<hbm>>
      tpu.wait_indirect_dma semaphore(%arg18 : memref<!tpu.dma_semaphore, #tpu.memory_space<semaphore_mem>>) src(%dma_wait3A_39 : memref<10240x128xf32, #tpu.memory_space<hbm>>) dst(%arg15 : memref<128x128xf32, #tpu.memory_space<vmem>>)
      "tpu.region"() ({
        %run_scoped3A = tpu.sem_alloc : memref<!tpu.dma_semaphore, #tpu.memory_space<semaphore_mem>>
        %dma_start3A_40 = arith.constant 0 : i32
        %dma_start3A_41 = tpu.memref_slice %arg8[%multiple_of3A, %dma_start3A_40] : memref<323584x128xf32, #tpu.memory_space<hbm>> -> memref<128x128xf32, #tpu.memory_space<hbm>>
        %dma_start3A_42 = arith.constant 0 : i32
        %dma_start3A_43 = tpu.memref_slice %arg8[%multiple_of3A, %dma_start3A_42] : memref<323584x128xf32, #tpu.memory_space<hbm>> -> memref<128x128xf32, #tpu.memory_space<hbm>>
        tpu.enqueue_dma source(%arg14 : memref<128x128xf32, #tpu.memory_space<vmem>>) target(%dma_start3A_43 : memref<128x128xf32, #tpu.memory_space<hbm>>) target_semaphore(%run_scoped3A : memref<!tpu.dma_semaphore, #tpu.memory_space<semaphore_mem>>)
        %dma_wait3A_44 = arith.constant 0 : i32
        %dma_wait3A_45 = tpu.memref_slice %arg8[%multiple_of3A, %dma_wait3A_44] : memref<323584x128xf32, #tpu.memory_space<hbm>> -> memref<128x128xf32, #tpu.memory_space<hbm>>
        %dma_wait3A_46 = arith.constant 0 : i32
        %dma_wait3A_47 = tpu.memref_slice %arg8[%multiple_of3A, %dma_wait3A_46] : memref<323584x128xf32, #tpu.memory_space<hbm>> -> memref<128x128xf32, #tpu.memory_space<hbm>>
        tpu.wait_dma2 semaphore(%run_scoped3A : memref<!tpu.dma_semaphore, #tpu.memory_space<semaphore_mem>>) src(%arg14 : memref<128x128xf32, #tpu.memory_space<vmem>>) dst(%dma_wait3A_47 : memref<128x128xf32, #tpu.memory_space<hbm>>)
        tpu.yield
      }) : () -> ()
      "tpu.region"() ({
        %run_scoped3A = tpu.sem_alloc : memref<!tpu.dma_semaphore, #tpu.memory_space<semaphore_mem>>
        %dma_start3A_40 = arith.constant 0 : i32
        %dma_start3A_41 = tpu.memref_slice %arg9[%multiple_of3A, %dma_start3A_40] : memref<323584x128xf32, #tpu.memory_space<hbm>> -> memref<128x128xf32, #tpu.memory_space<hbm>>
        %dma_start3A_42 = arith.constant 0 : i32
        %dma_start3A_43 = tpu.memref_slice %arg9[%multiple_of3A, %dma_start3A_42] : memref<323584x128xf32, #tpu.memory_space<hbm>> -> memref<128x128xf32, #tpu.memory_space<hbm>>
        tpu.enqueue_dma source(%arg15 : memref<128x128xf32, #tpu.memory_space<vmem>>) target(%dma_start3A_43 : memref<128x128xf32, #tpu.memory_space<hbm>>) target_semaphore(%run_scoped3A : memref<!tpu.dma_semaphore, #tpu.memory_space<semaphore_mem>>)
        %dma_wait3A_44 = arith.constant 0 : i32
        %dma_wait3A_45 = tpu.memref_slice %arg9[%multiple_of3A, %dma_wait3A_44] : memref<323584x128xf32, #tpu.memory_space<hbm>> -> memref<128x128xf32, #tpu.memory_space<hbm>>
        %dma_wait3A_46 = arith.constant 0 : i32
        %dma_wait3A_47 = tpu.memref_slice %arg9[%multiple_of3A, %dma_wait3A_46] : memref<323584x128xf32, #tpu.memory_space<hbm>> -> memref<128x128xf32, #tpu.memory_space<hbm>>
        tpu.wait_dma2 semaphore(%run_scoped3A : memref<!tpu.dma_semaphore, #tpu.memory_space<semaphore_mem>>) src(%arg15 : memref<128x128xf32, #tpu.memory_space<vmem>>) dst(%dma_wait3A_47 : memref<128x128xf32, #tpu.memory_space<hbm>>)
        tpu.yield
      }) : () -> ()
    }
    %while3A_18 = arith.constant 1 : i32
    scf.for %while3A_26 = %while3A_16 to %while3A_12 step %while3A_18  : i32 {
      %add3A_27 = arith.addi %select_n3A_9, %while3A_26 : i32
      %mul3A_28 = arith.constant 128 : i32
      %mul3A_29 = arith.muli %add3A_27, %mul3A_28 : i32
      %multiple_of3A = tpu.assume_multiple %mul3A_29, 128 : i32
      "tpu.region"() ({
        %run_scoped3A = tpu.sem_alloc : memref<!tpu.dma_semaphore, #tpu.memory_space<semaphore_mem>>
        %dma_start3A_40 = tpu.memref_slice %arg6[%multiple_of3A] : memref<323584xi32, #tpu.memory_space<hbm>> -> memref<128xi32, #tpu.memory_space<hbm>>
        %dma_start3A_41 = tpu.memref_slice %arg6[%multiple_of3A] : memref<323584xi32, #tpu.memory_space<hbm>> -> memref<128xi32, #tpu.memory_space<hbm>>
        tpu.enqueue_dma source(%dma_start3A_41 : memref<128xi32, #tpu.memory_space<hbm>>) target(%arg11 : memref<128xi32, #tpu.memory_space<vmem>>) target_semaphore(%run_scoped3A : memref<!tpu.dma_semaphore, #tpu.memory_space<semaphore_mem>>)
        %dma_wait3A_42 = tpu.memref_slice %arg6[%multiple_of3A] : memref<323584xi32, #tpu.memory_space<hbm>> -> memref<128xi32, #tpu.memory_space<hbm>>
        %dma_wait3A_43 = tpu.memref_slice %arg6[%multiple_of3A] : memref<323584xi32, #tpu.memory_space<hbm>> -> memref<128xi32, #tpu.memory_space<hbm>>
        tpu.wait_dma2 semaphore(%run_scoped3A : memref<!tpu.dma_semaphore, #tpu.memory_space<semaphore_mem>>) src(%dma_wait3A_43 : memref<128xi32, #tpu.memory_space<hbm>>) dst(%arg11 : memref<128xi32, #tpu.memory_space<vmem>>)
        tpu.yield
      }) : () -> ()
      "tpu.region"() ({
        %run_scoped3A = tpu.sem_alloc : memref<!tpu.dma_semaphore, #tpu.memory_space<semaphore_mem>>
        %dma_start3A_40 = tpu.memref_slice %arg5[%multiple_of3A] : memref<323584xi32, #tpu.memory_space<hbm>> -> memref<128xi32, #tpu.memory_space<hbm>>
        %dma_start3A_41 = tpu.memref_slice %arg5[%multiple_of3A] : memref<323584xi32, #tpu.memory_space<hbm>> -> memref<128xi32, #tpu.memory_space<hbm>>
        tpu.enqueue_dma source(%dma_start3A_41 : memref<128xi32, #tpu.memory_space<hbm>>) target(%arg12 : memref<128xi32, #tpu.memory_space<vmem>>) target_semaphore(%run_scoped3A : memref<!tpu.dma_semaphore, #tpu.memory_space<semaphore_mem>>)
        %dma_wait3A_42 = tpu.memref_slice %arg5[%multiple_of3A] : memref<323584xi32, #tpu.memory_space<hbm>> -> memref<128xi32, #tpu.memory_space<hbm>>
        %dma_wait3A_43 = tpu.memref_slice %arg5[%multiple_of3A] : memref<323584xi32, #tpu.memory_space<hbm>> -> memref<128xi32, #tpu.memory_space<hbm>>
        tpu.wait_dma2 semaphore(%run_scoped3A : memref<!tpu.dma_semaphore, #tpu.memory_space<semaphore_mem>>) src(%dma_wait3A_43 : memref<128xi32, #tpu.memory_space<hbm>>) dst(%arg12 : memref<128xi32, #tpu.memory_space<vmem>>)
        tpu.yield
      }) : () -> ()
      %dma_start3A = arith.constant 0 : i32
      %dma_start3A_30 = arith.constant 0 : i32
      %dma_start3A_31 = tpu.memref_slice %arg2[%dma_start3A, %dma_start3A_30] : memref<10240x128xf32, #tpu.memory_space<hbm>> -> memref<10240x128xf32, #tpu.memory_space<hbm>>
      tpu.enqueue_indirect_dma source(%dma_start3A_31 : memref<10240x128xf32, #tpu.memory_space<hbm>>) target(%arg14 : memref<128x128xf32, #tpu.memory_space<vmem>>) offsets(%arg11 : memref<128xi32, #tpu.memory_space<vmem>>) semaphore(%arg17 : memref<!tpu.dma_semaphore, #tpu.memory_space<semaphore_mem>>)
      %dma_start3A_32 = arith.constant 0 : i32
      %dma_start3A_33 = arith.constant 0 : i32
      %dma_start3A_34 = tpu.memref_slice %arg3[%dma_start3A_32, %dma_start3A_33] : memref<10240x128xf32, #tpu.memory_space<hbm>> -> memref<10240x128xf32, #tpu.memory_space<hbm>>
      tpu.enqueue_indirect_dma source(%dma_start3A_34 : memref<10240x128xf32, #tpu.memory_space<hbm>>) target(%arg15 : memref<128x128xf32, #tpu.memory_space<vmem>>) offsets(%arg12 : memref<128xi32, #tpu.memory_space<vmem>>) semaphore(%arg18 : memref<!tpu.dma_semaphore, #tpu.memory_space<semaphore_mem>>)
      %dma_wait3A = arith.constant 0 : i32
      %dma_wait3A_35 = arith.constant 0 : i32
      %dma_wait3A_36 = tpu.memref_slice %arg2[%dma_wait3A, %dma_wait3A_35] : memref<10240x128xf32, #tpu.memory_space<hbm>> -> memref<10240x128xf32, #tpu.memory_space<hbm>>
      tpu.wait_indirect_dma semaphore(%arg17 : memref<!tpu.dma_semaphore, #tpu.memory_space<semaphore_mem>>) src(%dma_wait3A_36 : memref<10240x128xf32, #tpu.memory_space<hbm>>) dst(%arg14 : memref<128x128xf32, #tpu.memory_space<vmem>>)
      %dma_wait3A_37 = arith.constant 0 : i32
      %dma_wait3A_38 = arith.constant 0 : i32
      %dma_wait3A_39 = tpu.memref_slice %arg3[%dma_wait3A_37, %dma_wait3A_38] : memref<10240x128xf32, #tpu.memory_space<hbm>> -> memref<10240x128xf32, #tpu.memory_space<hbm>>
      tpu.wait_indirect_dma semaphore(%arg18 : memref<!tpu.dma_semaphore, #tpu.memory_space<semaphore_mem>>) src(%dma_wait3A_39 : memref<10240x128xf32, #tpu.memory_space<hbm>>) dst(%arg15 : memref<128x128xf32, #tpu.memory_space<vmem>>)
      "tpu.region"() ({
        %run_scoped3A = tpu.sem_alloc : memref<!tpu.dma_semaphore, #tpu.memory_space<semaphore_mem>>
        %dma_start3A_40 = arith.constant 0 : i32
        %dma_start3A_41 = tpu.memref_slice %arg8[%multiple_of3A, %dma_start3A_40] : memref<323584x128xf32, #tpu.memory_space<hbm>> -> memref<128x128xf32, #tpu.memory_space<hbm>>
        %dma_start3A_42 = arith.constant 0 : i32
        %dma_start3A_43 = tpu.memref_slice %arg8[%multiple_of3A, %dma_start3A_42] : memref<323584x128xf32, #tpu.memory_space<hbm>> -> memref<128x128xf32, #tpu.memory_space<hbm>>
        tpu.enqueue_dma source(%arg14 : memref<128x128xf32, #tpu.memory_space<vmem>>) target(%dma_start3A_43 : memref<128x128xf32, #tpu.memory_space<hbm>>) target_semaphore(%run_scoped3A : memref<!tpu.dma_semaphore, #tpu.memory_space<semaphore_mem>>)
        %dma_wait3A_44 = arith.constant 0 : i32
        %dma_wait3A_45 = tpu.memref_slice %arg8[%multiple_of3A, %dma_wait3A_44] : memref<323584x128xf32, #tpu.memory_space<hbm>> -> memref<128x128xf32, #tpu.memory_space<hbm>>
        %dma_wait3A_46 = arith.constant 0 : i32
        %dma_wait3A_47 = tpu.memref_slice %arg8[%multiple_of3A, %dma_wait3A_46] : memref<323584x128xf32, #tpu.memory_space<hbm>> -> memref<128x128xf32, #tpu.memory_space<hbm>>
        tpu.wait_dma2 semaphore(%run_scoped3A : memref<!tpu.dma_semaphore, #tpu.memory_space<semaphore_mem>>) src(%arg14 : memref<128x128xf32, #tpu.memory_space<vmem>>) dst(%dma_wait3A_47 : memref<128x128xf32, #tpu.memory_space<hbm>>)
        tpu.yield
      }) : () -> ()
      "tpu.region"() ({
        %run_scoped3A = tpu.sem_alloc : memref<!tpu.dma_semaphore, #tpu.memory_space<semaphore_mem>>
        %dma_start3A_40 = arith.constant 0 : i32
        %dma_start3A_41 = tpu.memref_slice %arg9[%multiple_of3A, %dma_start3A_40] : memref<323584x128xf32, #tpu.memory_space<hbm>> -> memref<128x128xf32, #tpu.memory_space<hbm>>
        %dma_start3A_42 = arith.constant 0 : i32
        %dma_start3A_43 = tpu.memref_slice %arg9[%multiple_of3A, %dma_start3A_42] : memref<323584x128xf32, #tpu.memory_space<hbm>> -> memref<128x128xf32, #tpu.memory_space<hbm>>
        tpu.enqueue_dma source(%arg15 : memref<128x128xf32, #tpu.memory_space<vmem>>) target(%dma_start3A_43 : memref<128x128xf32, #tpu.memory_space<hbm>>) target_semaphore(%run_scoped3A : memref<!tpu.dma_semaphore, #tpu.memory_space<semaphore_mem>>)
        %dma_wait3A_44 = arith.constant 0 : i32
        %dma_wait3A_45 = tpu.memref_slice %arg9[%multiple_of3A, %dma_wait3A_44] : memref<323584x128xf32, #tpu.memory_space<hbm>> -> memref<128x128xf32, #tpu.memory_space<hbm>>
        %dma_wait3A_46 = arith.constant 0 : i32
        %dma_wait3A_47 = tpu.memref_slice %arg9[%multiple_of3A, %dma_wait3A_46] : memref<323584x128xf32, #tpu.memory_space<hbm>> -> memref<128x128xf32, #tpu.memory_space<hbm>>
        tpu.wait_dma2 semaphore(%run_scoped3A : memref<!tpu.dma_semaphore, #tpu.memory_space<semaphore_mem>>) src(%arg15 : memref<128x128xf32, #tpu.memory_space<vmem>>) dst(%dma_wait3A_47 : memref<128x128xf32, #tpu.memory_space<hbm>>)
        tpu.yield
      }) : () -> ()
    }
    %mul3A_19 = arith.constant 320 : i32
    %mul3A_20 = arith.muli %add3A, %mul3A_19 : i32
    %scan3A = arith.constant 0 : i32
    %scan3A_21 = arith.constant 0 : i32
    %scan3A_22 = arith.constant 5 : i32
    %scan3A_23 = arith.addi %scan3A_21, %scan3A_22 : i32
    %scan3A_24 = arith.constant 1 : i32
    scf.for %scan3A_26 = %scan3A_21 to %scan3A_23 step %scan3A_24  : i32 {
      %mul3A_27 = arith.constant 64 : i32
      %mul3A_28 = arith.muli %scan3A_26, %mul3A_27 : i32
      %add3A_29 = arith.addi %mul3A_20, %mul3A_28 : i32
      %multiple_of3A = tpu.assume_multiple %add3A_29, 64 : i32
      "tpu.region"() ({
        %run_scoped3A = tpu.sem_alloc : memref<!tpu.dma_semaphore, #tpu.memory_space<semaphore_mem>>
        %dma_start3A_34 = tpu.memref_slice %arg7[%multiple_of3A] : memref<10240xi32, #tpu.memory_space<hbm>> -> memref<64xi32, #tpu.memory_space<hbm>>
        %dma_start3A_35 = tpu.memref_slice %arg7[%multiple_of3A] : memref<10240xi32, #tpu.memory_space<hbm>> -> memref<64xi32, #tpu.memory_space<hbm>>
        tpu.enqueue_dma source(%dma_start3A_35 : memref<64xi32, #tpu.memory_space<hbm>>) target(%arg13 : memref<64xi32, #tpu.memory_space<vmem>>) target_semaphore(%run_scoped3A : memref<!tpu.dma_semaphore, #tpu.memory_space<semaphore_mem>>)
        %dma_wait3A_36 = tpu.memref_slice %arg7[%multiple_of3A] : memref<10240xi32, #tpu.memory_space<hbm>> -> memref<64xi32, #tpu.memory_space<hbm>>
        %dma_wait3A_37 = tpu.memref_slice %arg7[%multiple_of3A] : memref<10240xi32, #tpu.memory_space<hbm>> -> memref<64xi32, #tpu.memory_space<hbm>>
        tpu.wait_dma2 semaphore(%run_scoped3A : memref<!tpu.dma_semaphore, #tpu.memory_space<semaphore_mem>>) src(%dma_wait3A_37 : memref<64xi32, #tpu.memory_space<hbm>>) dst(%arg13 : memref<64xi32, #tpu.memory_space<vmem>>)
        tpu.yield
      }) : () -> ()
      %dma_start3A = arith.constant 0 : i32
      %dma_start3A_30 = arith.constant 0 : i32
      %dma_start3A_31 = tpu.memref_slice %arg4[%dma_start3A, %dma_start3A_30] : memref<10240x256xf32, #tpu.memory_space<hbm>> -> memref<10240x256xf32, #tpu.memory_space<hbm>>
      tpu.enqueue_indirect_dma source(%dma_start3A_31 : memref<10240x256xf32, #tpu.memory_space<hbm>>) target(%arg16 : memref<64x256xf32, #tpu.memory_space<vmem>>) offsets(%arg13 : memref<64xi32, #tpu.memory_space<vmem>>) semaphore(%arg17 : memref<!tpu.dma_semaphore, #tpu.memory_space<semaphore_mem>>)
      %dma_wait3A = arith.constant 0 : i32
      %dma_wait3A_32 = arith.constant 0 : i32
      %dma_wait3A_33 = tpu.memref_slice %arg4[%dma_wait3A, %dma_wait3A_32] : memref<10240x256xf32, #tpu.memory_space<hbm>> -> memref<10240x256xf32, #tpu.memory_space<hbm>>
      tpu.wait_indirect_dma semaphore(%arg17 : memref<!tpu.dma_semaphore, #tpu.memory_space<semaphore_mem>>) src(%dma_wait3A_33 : memref<10240x256xf32, #tpu.memory_space<hbm>>) dst(%arg16 : memref<64x256xf32, #tpu.memory_space<vmem>>)
      "tpu.region"() ({
        %run_scoped3A = tpu.sem_alloc : memref<!tpu.dma_semaphore, #tpu.memory_space<semaphore_mem>>
        %dma_start3A_34 = arith.constant 0 : i32
        %dma_start3A_35 = tpu.memref_slice %arg10[%multiple_of3A, %dma_start3A_34] : memref<10240x256xf32, #tpu.memory_space<hbm>> -> memref<64x256xf32, #tpu.memory_space<hbm>>
        %dma_start3A_36 = arith.constant 0 : i32
        %dma_start3A_37 = tpu.memref_slice %arg10[%multiple_of3A, %dma_start3A_36] : memref<10240x256xf32, #tpu.memory_space<hbm>> -> memref<64x256xf32, #tpu.memory_space<hbm>>
        tpu.enqueue_dma source(%arg16 : memref<64x256xf32, #tpu.memory_space<vmem>>) target(%dma_start3A_37 : memref<64x256xf32, #tpu.memory_space<hbm>>) target_semaphore(%run_scoped3A : memref<!tpu.dma_semaphore, #tpu.memory_space<semaphore_mem>>)
        %dma_wait3A_38 = arith.constant 0 : i32
        %dma_wait3A_39 = tpu.memref_slice %arg10[%multiple_of3A, %dma_wait3A_38] : memref<10240x256xf32, #tpu.memory_space<hbm>> -> memref<64x256xf32, #tpu.memory_space<hbm>>
        %dma_wait3A_40 = arith.constant 0 : i32
        %dma_wait3A_41 = tpu.memref_slice %arg10[%multiple_of3A, %dma_wait3A_40] : memref<10240x256xf32, #tpu.memory_space<hbm>> -> memref<64x256xf32, #tpu.memory_space<hbm>>
        tpu.wait_dma2 semaphore(%run_scoped3A : memref<!tpu.dma_semaphore, #tpu.memory_space<semaphore_mem>>) src(%arg16 : memref<64x256xf32, #tpu.memory_space<vmem>>) dst(%dma_wait3A_41 : memref<64x256xf32, #tpu.memory_space<hbm>>)
        tpu.yield
      }) : () -> ()
    }
    %scan3A_25 = arith.constant 5 : i32
    return
  }
}

#map = affine_map<(d0, d1) -> (0, 0)>
#map1 = affine_map<(d0, d1) -> (0)>
#map2 = affine_map<(d0, d1) -> (0, 0, 0)>
module attributes {stable_mosaic.version = 14 : i64} {
  func.func @sc_scatter(%arg0: i32, %arg1: i32, %arg2: memref<323584x128xf32, #tpu.memory_space<hbm>>, %arg3: memref<323584xi32, #tpu.memory_space<hbm>>, %arg4: memref<10240x128xf32, #tpu.memory_space<hbm>>, %arg5: memref<10240x16xf32, #tpu.memory_space<hbm>>, %arg6: memref<128x16xf32, #tpu.memory_space<hbm>>, %arg7: memref<2x10240x128xf32, #tpu.memory_space<hbm>>, %arg8: memref<2x10240x16xf32, #tpu.memory_space<hbm>>, %arg9: memref<10240x128xf32, #tpu.memory_space<vmem_shared>>, %arg10: memref<10240x16xf32, #tpu.memory_space<vmem_shared>>, %arg11: memref<128xi32, #tpu.memory_space<vmem>>, %arg12: memref<128x128xf32, #tpu.memory_space<vmem>>, %arg13: memref<128x16xf32, #tpu.memory_space<vmem>>) attributes {dimension_semantics = [#tpu.dimension_semantics<core_parallel>, #tpu.dimension_semantics<subcore_parallel>], iteration_bounds = array<i64: 2, 16>, scalar_prefetch = 0 : i64, scratch_operands = 5 : i64, tpu.core_type = #tpu.core_type<sc_vector_subcore>, window_params = [{transform_indices = #map}, {transform_indices = #map1}, {transform_indices = #map}, {transform_indices = #map}, {transform_indices = #map}, {transform_indices = #map2}, {transform_indices = #map2}]} {
    %mul3A = arith.constant 2 : i32
    %mul3A_0 = arith.muli %arg1, %mul3A : i32
    %add3A = arith.addi %mul3A_0, %arg0 : i32
    %eq3A = arith.constant 0 : i32
    %eq3A_1 = arith.cmpi eq, %arg1, %eq3A : i32
    %convert_element_type3A = arith.extui %eq3A_1 : i1 to i32
    %cond3A = arith.constant 0 : i32
    %cond3A_2 = arith.cmpi ne, %convert_element_type3A, %cond3A : i32
    scf.if %cond3A_2 {
      "tpu.region"() ({
        %run_scoped3A = tpu.sem_alloc : memref<!tpu.dma_semaphore, #tpu.memory_space<semaphore_mem>>
        tpu.enqueue_dma source(%arg4 : memref<10240x128xf32, #tpu.memory_space<hbm>>) target(%arg9 : memref<10240x128xf32, #tpu.memory_space<vmem_shared>>) target_semaphore(%run_scoped3A : memref<!tpu.dma_semaphore, #tpu.memory_space<semaphore_mem>>)
        tpu.wait_dma2 semaphore(%run_scoped3A : memref<!tpu.dma_semaphore, #tpu.memory_space<semaphore_mem>>) src(%arg4 : memref<10240x128xf32, #tpu.memory_space<hbm>>) dst(%arg9 : memref<10240x128xf32, #tpu.memory_space<vmem_shared>>)
        tpu.yield
      }) : () -> ()
      "tpu.region"() ({
        %run_scoped3A = tpu.sem_alloc : memref<!tpu.dma_semaphore, #tpu.memory_space<semaphore_mem>>
        tpu.enqueue_dma source(%arg5 : memref<10240x16xf32, #tpu.memory_space<hbm>>) target(%arg10 : memref<10240x16xf32, #tpu.memory_space<vmem_shared>>) target_semaphore(%run_scoped3A : memref<!tpu.dma_semaphore, #tpu.memory_space<semaphore_mem>>)
        tpu.wait_dma2 semaphore(%run_scoped3A : memref<!tpu.dma_semaphore, #tpu.memory_space<semaphore_mem>>) src(%arg5 : memref<10240x16xf32, #tpu.memory_space<hbm>>) dst(%arg10 : memref<10240x16xf32, #tpu.memory_space<vmem_shared>>)
        tpu.yield
      }) : () -> ()
    } else {
    }
    "tpu.region"() ({
      %run_scoped3A = tpu.sem_alloc : memref<!tpu.dma_semaphore, #tpu.memory_space<semaphore_mem>>
      tpu.enqueue_dma source(%arg6 : memref<128x16xf32, #tpu.memory_space<hbm>>) target(%arg13 : memref<128x16xf32, #tpu.memory_space<vmem>>) target_semaphore(%run_scoped3A : memref<!tpu.dma_semaphore, #tpu.memory_space<semaphore_mem>>)
      tpu.wait_dma2 semaphore(%run_scoped3A : memref<!tpu.dma_semaphore, #tpu.memory_space<semaphore_mem>>) src(%arg6 : memref<128x16xf32, #tpu.memory_space<hbm>>) dst(%arg13 : memref<128x16xf32, #tpu.memory_space<vmem>>)
      tpu.yield
    }) : () -> ()
    %barrier3A = arith.constant 0 : index
    tpu.barrier barrier_id(%barrier3A)
    %mul3A_3 = arith.constant 10112 : i32
    %mul3A_4 = arith.muli %add3A, %mul3A_3 : i32
    %scan3A = arith.constant 0 : i32
    %scan3A_5 = arith.constant 0 : i32
    %scan3A_6 = arith.constant 79 : i32
    %scan3A_7 = arith.addi %scan3A_5, %scan3A_6 : i32
    %scan3A_8 = arith.constant 1 : i32
    scf.for %scan3A_23 = %scan3A_5 to %scan3A_7 step %scan3A_8  : i32 {
      %mul3A_24 = arith.constant 128 : i32
      %mul3A_25 = arith.muli %scan3A_23, %mul3A_24 : i32
      %add3A_26 = arith.addi %mul3A_4, %mul3A_25 : i32
      %multiple_of3A = tpu.assume_multiple %add3A_26, 128 : i32
      "tpu.region"() ({
        %run_scoped3A = tpu.sem_alloc : memref<!tpu.dma_semaphore, #tpu.memory_space<semaphore_mem>>
        %dma_start3A = tpu.memref_slice %arg3[%multiple_of3A] : memref<323584xi32, #tpu.memory_space<hbm>> -> memref<128xi32, #tpu.memory_space<hbm>>
        %dma_start3A_27 = tpu.memref_slice %arg3[%multiple_of3A] : memref<323584xi32, #tpu.memory_space<hbm>> -> memref<128xi32, #tpu.memory_space<hbm>>
        tpu.enqueue_dma source(%dma_start3A_27 : memref<128xi32, #tpu.memory_space<hbm>>) target(%arg11 : memref<128xi32, #tpu.memory_space<vmem>>) target_semaphore(%run_scoped3A : memref<!tpu.dma_semaphore, #tpu.memory_space<semaphore_mem>>)
        %dma_wait3A = tpu.memref_slice %arg3[%multiple_of3A] : memref<323584xi32, #tpu.memory_space<hbm>> -> memref<128xi32, #tpu.memory_space<hbm>>
        %dma_wait3A_28 = tpu.memref_slice %arg3[%multiple_of3A] : memref<323584xi32, #tpu.memory_space<hbm>> -> memref<128xi32, #tpu.memory_space<hbm>>
        tpu.wait_dma2 semaphore(%run_scoped3A : memref<!tpu.dma_semaphore, #tpu.memory_space<semaphore_mem>>) src(%dma_wait3A_28 : memref<128xi32, #tpu.memory_space<hbm>>) dst(%arg11 : memref<128xi32, #tpu.memory_space<vmem>>)
        tpu.yield
      }) : () -> ()
      "tpu.region"() ({
        %run_scoped3A = tpu.sem_alloc : memref<!tpu.dma_semaphore, #tpu.memory_space<semaphore_mem>>
        %dma_start3A = arith.constant 0 : i32
        %dma_start3A_27 = tpu.memref_slice %arg2[%multiple_of3A, %dma_start3A] : memref<323584x128xf32, #tpu.memory_space<hbm>> -> memref<128x128xf32, #tpu.memory_space<hbm>>
        %dma_start3A_28 = arith.constant 0 : i32
        %dma_start3A_29 = tpu.memref_slice %arg2[%multiple_of3A, %dma_start3A_28] : memref<323584x128xf32, #tpu.memory_space<hbm>> -> memref<128x128xf32, #tpu.memory_space<hbm>>
        tpu.enqueue_dma source(%dma_start3A_29 : memref<128x128xf32, #tpu.memory_space<hbm>>) target(%arg12 : memref<128x128xf32, #tpu.memory_space<vmem>>) target_semaphore(%run_scoped3A : memref<!tpu.dma_semaphore, #tpu.memory_space<semaphore_mem>>)
        %dma_wait3A = arith.constant 0 : i32
        %dma_wait3A_30 = tpu.memref_slice %arg2[%multiple_of3A, %dma_wait3A] : memref<323584x128xf32, #tpu.memory_space<hbm>> -> memref<128x128xf32, #tpu.memory_space<hbm>>
        %dma_wait3A_31 = arith.constant 0 : i32
        %dma_wait3A_32 = tpu.memref_slice %arg2[%multiple_of3A, %dma_wait3A_31] : memref<323584x128xf32, #tpu.memory_space<hbm>> -> memref<128x128xf32, #tpu.memory_space<hbm>>
        tpu.wait_dma2 semaphore(%run_scoped3A : memref<!tpu.dma_semaphore, #tpu.memory_space<semaphore_mem>>) src(%dma_wait3A_32 : memref<128x128xf32, #tpu.memory_space<hbm>>) dst(%arg12 : memref<128x128xf32, #tpu.memory_space<vmem>>)
        tpu.yield
      }) : () -> ()
      "tpu.region"() ({
        %run_scoped3A = tpu.sem_alloc : memref<!tpu.dma_semaphore, #tpu.memory_space<semaphore_mem>>
        %dma_start3A = arith.constant 0 : i32
        %dma_start3A_27 = arith.constant 0 : i32
        %dma_start3A_28 = tpu.memref_slice %arg9[%dma_start3A, %dma_start3A_27] : memref<10240x128xf32, #tpu.memory_space<vmem_shared>> -> memref<10240x128xf32, #tpu.memory_space<vmem_shared>>
        tpu.enqueue_indirect_dma source(%arg12 : memref<128x128xf32, #tpu.memory_space<vmem>>) target(%dma_start3A_28 : memref<10240x128xf32, #tpu.memory_space<vmem_shared>>) offsets(%arg11 : memref<128xi32, #tpu.memory_space<vmem>>) semaphore(%run_scoped3A : memref<!tpu.dma_semaphore, #tpu.memory_space<semaphore_mem>>) {add = true}
        %dma_wait3A = arith.constant 0 : i32
        %dma_wait3A_29 = arith.constant 0 : i32
        %dma_wait3A_30 = tpu.memref_slice %arg9[%dma_wait3A, %dma_wait3A_29] : memref<10240x128xf32, #tpu.memory_space<vmem_shared>> -> memref<10240x128xf32, #tpu.memory_space<vmem_shared>>
        tpu.wait_indirect_dma semaphore(%run_scoped3A : memref<!tpu.dma_semaphore, #tpu.memory_space<semaphore_mem>>) src(%arg12 : memref<128x128xf32, #tpu.memory_space<vmem>>) dst(%dma_wait3A_30 : memref<10240x128xf32, #tpu.memory_space<vmem_shared>>)
        tpu.yield
      }) : () -> ()
      "tpu.region"() ({
        %run_scoped3A = tpu.sem_alloc : memref<!tpu.dma_semaphore, #tpu.memory_space<semaphore_mem>>
        %dma_start3A = arith.constant 0 : i32
        %dma_start3A_27 = arith.constant 0 : i32
        %dma_start3A_28 = tpu.memref_slice %arg10[%dma_start3A, %dma_start3A_27] : memref<10240x16xf32, #tpu.memory_space<vmem_shared>> -> memref<10240x16xf32, #tpu.memory_space<vmem_shared>>
        tpu.enqueue_indirect_dma source(%arg13 : memref<128x16xf32, #tpu.memory_space<vmem>>) target(%dma_start3A_28 : memref<10240x16xf32, #tpu.memory_space<vmem_shared>>) offsets(%arg11 : memref<128xi32, #tpu.memory_space<vmem>>) semaphore(%run_scoped3A : memref<!tpu.dma_semaphore, #tpu.memory_space<semaphore_mem>>) {add = true}
        %dma_wait3A = arith.constant 0 : i32
        %dma_wait3A_29 = arith.constant 0 : i32
        %dma_wait3A_30 = tpu.memref_slice %arg10[%dma_wait3A, %dma_wait3A_29] : memref<10240x16xf32, #tpu.memory_space<vmem_shared>> -> memref<10240x16xf32, #tpu.memory_space<vmem_shared>>
        tpu.wait_indirect_dma semaphore(%run_scoped3A : memref<!tpu.dma_semaphore, #tpu.memory_space<semaphore_mem>>) src(%arg13 : memref<128x16xf32, #tpu.memory_space<vmem>>) dst(%dma_wait3A_30 : memref<10240x16xf32, #tpu.memory_space<vmem_shared>>)
        tpu.yield
      }) : () -> ()
    }
    %scan3A_9 = arith.constant 79 : i32
    %barrier3A_10 = arith.constant 0 : index
    tpu.barrier barrier_id(%barrier3A_10)
    %mul3A_11 = arith.constant 640 : i32
    %mul3A_12 = arith.muli %arg1, %mul3A_11 : i32
    %add3A_13 = arith.constant 0 : i32
    %add3A_14 = arith.addi %mul3A_12, %add3A_13 : i32
    "tpu.region"() ({
      %run_scoped3A = tpu.sem_alloc : memref<!tpu.dma_semaphore, #tpu.memory_space<semaphore_mem>>
      %dma_start3A = arith.constant 0 : i32
      %dma_start3A_23 = tpu.memref_slice %arg7[%arg0, %add3A_14, %dma_start3A] : memref<2x10240x128xf32, #tpu.memory_space<hbm>> -> memref<1x128x128xf32, #tpu.memory_space<hbm>>
      %dma_start3A_24 = tpu.memref_squeeze %dma_start3A_23 : memref<1x128x128xf32, #tpu.memory_space<hbm>> -> memref<128x128xf32, #tpu.memory_space<hbm>>
      %dma_start3A_25 = arith.constant 0 : i32
      %dma_start3A_26 = tpu.memref_slice %arg9[%add3A_14, %dma_start3A_25] : memref<10240x128xf32, #tpu.memory_space<vmem_shared>> -> memref<128x128xf32, #tpu.memory_space<vmem_shared>>
      tpu.enqueue_dma source(%dma_start3A_26 : memref<128x128xf32, #tpu.memory_space<vmem_shared>>) target(%dma_start3A_24 : memref<128x128xf32, #tpu.memory_space<hbm>>) target_semaphore(%run_scoped3A : memref<!tpu.dma_semaphore, #tpu.memory_space<semaphore_mem>>)
      %dma_wait3A = arith.constant 0 : i32
      %dma_wait3A_27 = tpu.memref_slice %arg7[%arg0, %add3A_14, %dma_wait3A] : memref<2x10240x128xf32, #tpu.memory_space<hbm>> -> memref<1x128x128xf32, #tpu.memory_space<hbm>>
      %dma_wait3A_28 = tpu.memref_squeeze %dma_wait3A_27 : memref<1x128x128xf32, #tpu.memory_space<hbm>> -> memref<128x128xf32, #tpu.memory_space<hbm>>
      %dma_wait3A_29 = arith.constant 0 : i32
      %dma_wait3A_30 = tpu.memref_slice %arg9[%add3A_14, %dma_wait3A_29] : memref<10240x128xf32, #tpu.memory_space<vmem_shared>> -> memref<128x128xf32, #tpu.memory_space<vmem_shared>>
      tpu.wait_dma2 semaphore(%run_scoped3A : memref<!tpu.dma_semaphore, #tpu.memory_space<semaphore_mem>>) src(%dma_wait3A_30 : memref<128x128xf32, #tpu.memory_space<vmem_shared>>) dst(%dma_wait3A_28 : memref<128x128xf32, #tpu.memory_space<hbm>>)
      tpu.yield
    }) : () -> ()
    "tpu.region"() ({
      %run_scoped3A = tpu.sem_alloc : memref<!tpu.dma_semaphore, #tpu.memory_space<semaphore_mem>>
      %dma_start3A = arith.constant 0 : i32
      %dma_start3A_23 = tpu.memref_slice %arg8[%arg0, %add3A_14, %dma_start3A] : memref<2x10240x16xf32, #tpu.memory_space<hbm>> -> memref<1x128x16xf32, #tpu.memory_space<hbm>>
      %dma_start3A_24 = tpu.memref_squeeze %dma_start3A_23 : memref<1x128x16xf32, #tpu.memory_space<hbm>> -> memref<128x16xf32, #tpu.memory_space<hbm>>
      %dma_start3A_25 = arith.constant 0 : i32
      %dma_start3A_26 = tpu.memref_slice %arg10[%add3A_14, %dma_start3A_25] : memref<10240x16xf32, #tpu.memory_space<vmem_shared>> -> memref<128x16xf32, #tpu.memory_space<vmem_shared>>
      tpu.enqueue_dma source(%dma_start3A_26 : memref<128x16xf32, #tpu.memory_space<vmem_shared>>) target(%dma_start3A_24 : memref<128x16xf32, #tpu.memory_space<hbm>>) target_semaphore(%run_scoped3A : memref<!tpu.dma_semaphore, #tpu.memory_space<semaphore_mem>>)
      %dma_wait3A = arith.constant 0 : i32
      %dma_wait3A_27 = tpu.memref_slice %arg8[%arg0, %add3A_14, %dma_wait3A] : memref<2x10240x16xf32, #tpu.memory_space<hbm>> -> memref<1x128x16xf32, #tpu.memory_space<hbm>>
      %dma_wait3A_28 = tpu.memref_squeeze %dma_wait3A_27 : memref<1x128x16xf32, #tpu.memory_space<hbm>> -> memref<128x16xf32, #tpu.memory_space<hbm>>
      %dma_wait3A_29 = arith.constant 0 : i32
      %dma_wait3A_30 = tpu.memref_slice %arg10[%add3A_14, %dma_wait3A_29] : memref<10240x16xf32, #tpu.memory_space<vmem_shared>> -> memref<128x16xf32, #tpu.memory_space<vmem_shared>>
      tpu.wait_dma2 semaphore(%run_scoped3A : memref<!tpu.dma_semaphore, #tpu.memory_space<semaphore_mem>>) src(%dma_wait3A_30 : memref<128x16xf32, #tpu.memory_space<vmem_shared>>) dst(%dma_wait3A_28 : memref<128x16xf32, #tpu.memory_space<hbm>>)
      tpu.yield
    }) : () -> ()
    %add3A_15 = arith.constant 128 : i32
    %add3A_16 = arith.addi %mul3A_12, %add3A_15 : i32
    "tpu.region"() ({
      %run_scoped3A = tpu.sem_alloc : memref<!tpu.dma_semaphore, #tpu.memory_space<semaphore_mem>>
      %dma_start3A = arith.constant 0 : i32
      %dma_start3A_23 = tpu.memref_slice %arg7[%arg0, %add3A_16, %dma_start3A] : memref<2x10240x128xf32, #tpu.memory_space<hbm>> -> memref<1x128x128xf32, #tpu.memory_space<hbm>>
      %dma_start3A_24 = tpu.memref_squeeze %dma_start3A_23 : memref<1x128x128xf32, #tpu.memory_space<hbm>> -> memref<128x128xf32, #tpu.memory_space<hbm>>
      %dma_start3A_25 = arith.constant 0 : i32
      %dma_start3A_26 = tpu.memref_slice %arg9[%add3A_16, %dma_start3A_25] : memref<10240x128xf32, #tpu.memory_space<vmem_shared>> -> memref<128x128xf32, #tpu.memory_space<vmem_shared>>
      tpu.enqueue_dma source(%dma_start3A_26 : memref<128x128xf32, #tpu.memory_space<vmem_shared>>) target(%dma_start3A_24 : memref<128x128xf32, #tpu.memory_space<hbm>>) target_semaphore(%run_scoped3A : memref<!tpu.dma_semaphore, #tpu.memory_space<semaphore_mem>>)
      %dma_wait3A = arith.constant 0 : i32
      %dma_wait3A_27 = tpu.memref_slice %arg7[%arg0, %add3A_16, %dma_wait3A] : memref<2x10240x128xf32, #tpu.memory_space<hbm>> -> memref<1x128x128xf32, #tpu.memory_space<hbm>>
      %dma_wait3A_28 = tpu.memref_squeeze %dma_wait3A_27 : memref<1x128x128xf32, #tpu.memory_space<hbm>> -> memref<128x128xf32, #tpu.memory_space<hbm>>
      %dma_wait3A_29 = arith.constant 0 : i32
      %dma_wait3A_30 = tpu.memref_slice %arg9[%add3A_16, %dma_wait3A_29] : memref<10240x128xf32, #tpu.memory_space<vmem_shared>> -> memref<128x128xf32, #tpu.memory_space<vmem_shared>>
      tpu.wait_dma2 semaphore(%run_scoped3A : memref<!tpu.dma_semaphore, #tpu.memory_space<semaphore_mem>>) src(%dma_wait3A_30 : memref<128x128xf32, #tpu.memory_space<vmem_shared>>) dst(%dma_wait3A_28 : memref<128x128xf32, #tpu.memory_space<hbm>>)
      tpu.yield
    }) : () -> ()
    "tpu.region"() ({
      %run_scoped3A = tpu.sem_alloc : memref<!tpu.dma_semaphore, #tpu.memory_space<semaphore_mem>>
      %dma_start3A = arith.constant 0 : i32
      %dma_start3A_23 = tpu.memref_slice %arg8[%arg0, %add3A_16, %dma_start3A] : memref<2x10240x16xf32, #tpu.memory_space<hbm>> -> memref<1x128x16xf32, #tpu.memory_space<hbm>>
      %dma_start3A_24 = tpu.memref_squeeze %dma_start3A_23 : memref<1x128x16xf32, #tpu.memory_space<hbm>> -> memref<128x16xf32, #tpu.memory_space<hbm>>
      %dma_start3A_25 = arith.constant 0 : i32
      %dma_start3A_26 = tpu.memref_slice %arg10[%add3A_16, %dma_start3A_25] : memref<10240x16xf32, #tpu.memory_space<vmem_shared>> -> memref<128x16xf32, #tpu.memory_space<vmem_shared>>
      tpu.enqueue_dma source(%dma_start3A_26 : memref<128x16xf32, #tpu.memory_space<vmem_shared>>) target(%dma_start3A_24 : memref<128x16xf32, #tpu.memory_space<hbm>>) target_semaphore(%run_scoped3A : memref<!tpu.dma_semaphore, #tpu.memory_space<semaphore_mem>>)
      %dma_wait3A = arith.constant 0 : i32
      %dma_wait3A_27 = tpu.memref_slice %arg8[%arg0, %add3A_16, %dma_wait3A] : memref<2x10240x16xf32, #tpu.memory_space<hbm>> -> memref<1x128x16xf32, #tpu.memory_space<hbm>>
      %dma_wait3A_28 = tpu.memref_squeeze %dma_wait3A_27 : memref<1x128x16xf32, #tpu.memory_space<hbm>> -> memref<128x16xf32, #tpu.memory_space<hbm>>
      %dma_wait3A_29 = arith.constant 0 : i32
      %dma_wait3A_30 = tpu.memref_slice %arg10[%add3A_16, %dma_wait3A_29] : memref<10240x16xf32, #tpu.memory_space<vmem_shared>> -> memref<128x16xf32, #tpu.memory_space<vmem_shared>>
      tpu.wait_dma2 semaphore(%run_scoped3A : memref<!tpu.dma_semaphore, #tpu.memory_space<semaphore_mem>>) src(%dma_wait3A_30 : memref<128x16xf32, #tpu.memory_space<vmem_shared>>) dst(%dma_wait3A_28 : memref<128x16xf32, #tpu.memory_space<hbm>>)
      tpu.yield
    }) : () -> ()
    %add3A_17 = arith.constant 256 : i32
    %add3A_18 = arith.addi %mul3A_12, %add3A_17 : i32
    "tpu.region"() ({
      %run_scoped3A = tpu.sem_alloc : memref<!tpu.dma_semaphore, #tpu.memory_space<semaphore_mem>>
      %dma_start3A = arith.constant 0 : i32
      %dma_start3A_23 = tpu.memref_slice %arg7[%arg0, %add3A_18, %dma_start3A] : memref<2x10240x128xf32, #tpu.memory_space<hbm>> -> memref<1x128x128xf32, #tpu.memory_space<hbm>>
      %dma_start3A_24 = tpu.memref_squeeze %dma_start3A_23 : memref<1x128x128xf32, #tpu.memory_space<hbm>> -> memref<128x128xf32, #tpu.memory_space<hbm>>
      %dma_start3A_25 = arith.constant 0 : i32
      %dma_start3A_26 = tpu.memref_slice %arg9[%add3A_18, %dma_start3A_25] : memref<10240x128xf32, #tpu.memory_space<vmem_shared>> -> memref<128x128xf32, #tpu.memory_space<vmem_shared>>
      tpu.enqueue_dma source(%dma_start3A_26 : memref<128x128xf32, #tpu.memory_space<vmem_shared>>) target(%dma_start3A_24 : memref<128x128xf32, #tpu.memory_space<hbm>>) target_semaphore(%run_scoped3A : memref<!tpu.dma_semaphore, #tpu.memory_space<semaphore_mem>>)
      %dma_wait3A = arith.constant 0 : i32
      %dma_wait3A_27 = tpu.memref_slice %arg7[%arg0, %add3A_18, %dma_wait3A] : memref<2x10240x128xf32, #tpu.memory_space<hbm>> -> memref<1x128x128xf32, #tpu.memory_space<hbm>>
      %dma_wait3A_28 = tpu.memref_squeeze %dma_wait3A_27 : memref<1x128x128xf32, #tpu.memory_space<hbm>> -> memref<128x128xf32, #tpu.memory_space<hbm>>
      %dma_wait3A_29 = arith.constant 0 : i32
      %dma_wait3A_30 = tpu.memref_slice %arg9[%add3A_18, %dma_wait3A_29] : memref<10240x128xf32, #tpu.memory_space<vmem_shared>> -> memref<128x128xf32, #tpu.memory_space<vmem_shared>>
      tpu.wait_dma2 semaphore(%run_scoped3A : memref<!tpu.dma_semaphore, #tpu.memory_space<semaphore_mem>>) src(%dma_wait3A_30 : memref<128x128xf32, #tpu.memory_space<vmem_shared>>) dst(%dma_wait3A_28 : memref<128x128xf32, #tpu.memory_space<hbm>>)
      tpu.yield
    }) : () -> ()
    "tpu.region"() ({
      %run_scoped3A = tpu.sem_alloc : memref<!tpu.dma_semaphore, #tpu.memory_space<semaphore_mem>>
      %dma_start3A = arith.constant 0 : i32
      %dma_start3A_23 = tpu.memref_slice %arg8[%arg0, %add3A_18, %dma_start3A] : memref<2x10240x16xf32, #tpu.memory_space<hbm>> -> memref<1x128x16xf32, #tpu.memory_space<hbm>>
      %dma_start3A_24 = tpu.memref_squeeze %dma_start3A_23 : memref<1x128x16xf32, #tpu.memory_space<hbm>> -> memref<128x16xf32, #tpu.memory_space<hbm>>
      %dma_start3A_25 = arith.constant 0 : i32
      %dma_start3A_26 = tpu.memref_slice %arg10[%add3A_18, %dma_start3A_25] : memref<10240x16xf32, #tpu.memory_space<vmem_shared>> -> memref<128x16xf32, #tpu.memory_space<vmem_shared>>
      tpu.enqueue_dma source(%dma_start3A_26 : memref<128x16xf32, #tpu.memory_space<vmem_shared>>) target(%dma_start3A_24 : memref<128x16xf32, #tpu.memory_space<hbm>>) target_semaphore(%run_scoped3A : memref<!tpu.dma_semaphore, #tpu.memory_space<semaphore_mem>>)
      %dma_wait3A = arith.constant 0 : i32
      %dma_wait3A_27 = tpu.memref_slice %arg8[%arg0, %add3A_18, %dma_wait3A] : memref<2x10240x16xf32, #tpu.memory_space<hbm>> -> memref<1x128x16xf32, #tpu.memory_space<hbm>>
      %dma_wait3A_28 = tpu.memref_squeeze %dma_wait3A_27 : memref<1x128x16xf32, #tpu.memory_space<hbm>> -> memref<128x16xf32, #tpu.memory_space<hbm>>
      %dma_wait3A_29 = arith.constant 0 : i32
      %dma_wait3A_30 = tpu.memref_slice %arg10[%add3A_18, %dma_wait3A_29] : memref<10240x16xf32, #tpu.memory_space<vmem_shared>> -> memref<128x16xf32, #tpu.memory_space<vmem_shared>>
      tpu.wait_dma2 semaphore(%run_scoped3A : memref<!tpu.dma_semaphore, #tpu.memory_space<semaphore_mem>>) src(%dma_wait3A_30 : memref<128x16xf32, #tpu.memory_space<vmem_shared>>) dst(%dma_wait3A_28 : memref<128x16xf32, #tpu.memory_space<hbm>>)
      tpu.yield
    }) : () -> ()
    %add3A_19 = arith.constant 384 : i32
    %add3A_20 = arith.addi %mul3A_12, %add3A_19 : i32
    "tpu.region"() ({
      %run_scoped3A = tpu.sem_alloc : memref<!tpu.dma_semaphore, #tpu.memory_space<semaphore_mem>>
      %dma_start3A = arith.constant 0 : i32
      %dma_start3A_23 = tpu.memref_slice %arg7[%arg0, %add3A_20, %dma_start3A] : memref<2x10240x128xf32, #tpu.memory_space<hbm>> -> memref<1x128x128xf32, #tpu.memory_space<hbm>>
      %dma_start3A_24 = tpu.memref_squeeze %dma_start3A_23 : memref<1x128x128xf32, #tpu.memory_space<hbm>> -> memref<128x128xf32, #tpu.memory_space<hbm>>
      %dma_start3A_25 = arith.constant 0 : i32
      %dma_start3A_26 = tpu.memref_slice %arg9[%add3A_20, %dma_start3A_25] : memref<10240x128xf32, #tpu.memory_space<vmem_shared>> -> memref<128x128xf32, #tpu.memory_space<vmem_shared>>
      tpu.enqueue_dma source(%dma_start3A_26 : memref<128x128xf32, #tpu.memory_space<vmem_shared>>) target(%dma_start3A_24 : memref<128x128xf32, #tpu.memory_space<hbm>>) target_semaphore(%run_scoped3A : memref<!tpu.dma_semaphore, #tpu.memory_space<semaphore_mem>>)
      %dma_wait3A = arith.constant 0 : i32
      %dma_wait3A_27 = tpu.memref_slice %arg7[%arg0, %add3A_20, %dma_wait3A] : memref<2x10240x128xf32, #tpu.memory_space<hbm>> -> memref<1x128x128xf32, #tpu.memory_space<hbm>>
      %dma_wait3A_28 = tpu.memref_squeeze %dma_wait3A_27 : memref<1x128x128xf32, #tpu.memory_space<hbm>> -> memref<128x128xf32, #tpu.memory_space<hbm>>
      %dma_wait3A_29 = arith.constant 0 : i32
      %dma_wait3A_30 = tpu.memref_slice %arg9[%add3A_20, %dma_wait3A_29] : memref<10240x128xf32, #tpu.memory_space<vmem_shared>> -> memref<128x128xf32, #tpu.memory_space<vmem_shared>>
      tpu.wait_dma2 semaphore(%run_scoped3A : memref<!tpu.dma_semaphore, #tpu.memory_space<semaphore_mem>>) src(%dma_wait3A_30 : memref<128x128xf32, #tpu.memory_space<vmem_shared>>) dst(%dma_wait3A_28 : memref<128x128xf32, #tpu.memory_space<hbm>>)
      tpu.yield
    }) : () -> ()
    "tpu.region"() ({
      %run_scoped3A = tpu.sem_alloc : memref<!tpu.dma_semaphore, #tpu.memory_space<semaphore_mem>>
      %dma_start3A = arith.constant 0 : i32
      %dma_start3A_23 = tpu.memref_slice %arg8[%arg0, %add3A_20, %dma_start3A] : memref<2x10240x16xf32, #tpu.memory_space<hbm>> -> memref<1x128x16xf32, #tpu.memory_space<hbm>>
      %dma_start3A_24 = tpu.memref_squeeze %dma_start3A_23 : memref<1x128x16xf32, #tpu.memory_space<hbm>> -> memref<128x16xf32, #tpu.memory_space<hbm>>
      %dma_start3A_25 = arith.constant 0 : i32
      %dma_start3A_26 = tpu.memref_slice %arg10[%add3A_20, %dma_start3A_25] : memref<10240x16xf32, #tpu.memory_space<vmem_shared>> -> memref<128x16xf32, #tpu.memory_space<vmem_shared>>
      tpu.enqueue_dma source(%dma_start3A_26 : memref<128x16xf32, #tpu.memory_space<vmem_shared>>) target(%dma_start3A_24 : memref<128x16xf32, #tpu.memory_space<hbm>>) target_semaphore(%run_scoped3A : memref<!tpu.dma_semaphore, #tpu.memory_space<semaphore_mem>>)
      %dma_wait3A = arith.constant 0 : i32
      %dma_wait3A_27 = tpu.memref_slice %arg8[%arg0, %add3A_20, %dma_wait3A] : memref<2x10240x16xf32, #tpu.memory_space<hbm>> -> memref<1x128x16xf32, #tpu.memory_space<hbm>>
      %dma_wait3A_28 = tpu.memref_squeeze %dma_wait3A_27 : memref<1x128x16xf32, #tpu.memory_space<hbm>> -> memref<128x16xf32, #tpu.memory_space<hbm>>
      %dma_wait3A_29 = arith.constant 0 : i32
      %dma_wait3A_30 = tpu.memref_slice %arg10[%add3A_20, %dma_wait3A_29] : memref<10240x16xf32, #tpu.memory_space<vmem_shared>> -> memref<128x16xf32, #tpu.memory_space<vmem_shared>>
      tpu.wait_dma2 semaphore(%run_scoped3A : memref<!tpu.dma_semaphore, #tpu.memory_space<semaphore_mem>>) src(%dma_wait3A_30 : memref<128x16xf32, #tpu.memory_space<vmem_shared>>) dst(%dma_wait3A_28 : memref<128x16xf32, #tpu.memory_space<hbm>>)
      tpu.yield
    }) : () -> ()
    %add3A_21 = arith.constant 512 : i32
    %add3A_22 = arith.addi %mul3A_12, %add3A_21 : i32
    "tpu.region"() ({
      %run_scoped3A = tpu.sem_alloc : memref<!tpu.dma_semaphore, #tpu.memory_space<semaphore_mem>>
      %dma_start3A = arith.constant 0 : i32
      %dma_start3A_23 = tpu.memref_slice %arg7[%arg0, %add3A_22, %dma_start3A] : memref<2x10240x128xf32, #tpu.memory_space<hbm>> -> memref<1x128x128xf32, #tpu.memory_space<hbm>>
      %dma_start3A_24 = tpu.memref_squeeze %dma_start3A_23 : memref<1x128x128xf32, #tpu.memory_space<hbm>> -> memref<128x128xf32, #tpu.memory_space<hbm>>
      %dma_start3A_25 = arith.constant 0 : i32
      %dma_start3A_26 = tpu.memref_slice %arg9[%add3A_22, %dma_start3A_25] : memref<10240x128xf32, #tpu.memory_space<vmem_shared>> -> memref<128x128xf32, #tpu.memory_space<vmem_shared>>
      tpu.enqueue_dma source(%dma_start3A_26 : memref<128x128xf32, #tpu.memory_space<vmem_shared>>) target(%dma_start3A_24 : memref<128x128xf32, #tpu.memory_space<hbm>>) target_semaphore(%run_scoped3A : memref<!tpu.dma_semaphore, #tpu.memory_space<semaphore_mem>>)
      %dma_wait3A = arith.constant 0 : i32
      %dma_wait3A_27 = tpu.memref_slice %arg7[%arg0, %add3A_22, %dma_wait3A] : memref<2x10240x128xf32, #tpu.memory_space<hbm>> -> memref<1x128x128xf32, #tpu.memory_space<hbm>>
      %dma_wait3A_28 = tpu.memref_squeeze %dma_wait3A_27 : memref<1x128x128xf32, #tpu.memory_space<hbm>> -> memref<128x128xf32, #tpu.memory_space<hbm>>
      %dma_wait3A_29 = arith.constant 0 : i32
      %dma_wait3A_30 = tpu.memref_slice %arg9[%add3A_22, %dma_wait3A_29] : memref<10240x128xf32, #tpu.memory_space<vmem_shared>> -> memref<128x128xf32, #tpu.memory_space<vmem_shared>>
      tpu.wait_dma2 semaphore(%run_scoped3A : memref<!tpu.dma_semaphore, #tpu.memory_space<semaphore_mem>>) src(%dma_wait3A_30 : memref<128x128xf32, #tpu.memory_space<vmem_shared>>) dst(%dma_wait3A_28 : memref<128x128xf32, #tpu.memory_space<hbm>>)
      tpu.yield
    }) : () -> ()
    "tpu.region"() ({
      %run_scoped3A = tpu.sem_alloc : memref<!tpu.dma_semaphore, #tpu.memory_space<semaphore_mem>>
      %dma_start3A = arith.constant 0 : i32
      %dma_start3A_23 = tpu.memref_slice %arg8[%arg0, %add3A_22, %dma_start3A] : memref<2x10240x16xf32, #tpu.memory_space<hbm>> -> memref<1x128x16xf32, #tpu.memory_space<hbm>>
      %dma_start3A_24 = tpu.memref_squeeze %dma_start3A_23 : memref<1x128x16xf32, #tpu.memory_space<hbm>> -> memref<128x16xf32, #tpu.memory_space<hbm>>
      %dma_start3A_25 = arith.constant 0 : i32
      %dma_start3A_26 = tpu.memref_slice %arg10[%add3A_22, %dma_start3A_25] : memref<10240x16xf32, #tpu.memory_space<vmem_shared>> -> memref<128x16xf32, #tpu.memory_space<vmem_shared>>
      tpu.enqueue_dma source(%dma_start3A_26 : memref<128x16xf32, #tpu.memory_space<vmem_shared>>) target(%dma_start3A_24 : memref<128x16xf32, #tpu.memory_space<hbm>>) target_semaphore(%run_scoped3A : memref<!tpu.dma_semaphore, #tpu.memory_space<semaphore_mem>>)
      %dma_wait3A = arith.constant 0 : i32
      %dma_wait3A_27 = tpu.memref_slice %arg8[%arg0, %add3A_22, %dma_wait3A] : memref<2x10240x16xf32, #tpu.memory_space<hbm>> -> memref<1x128x16xf32, #tpu.memory_space<hbm>>
      %dma_wait3A_28 = tpu.memref_squeeze %dma_wait3A_27 : memref<1x128x16xf32, #tpu.memory_space<hbm>> -> memref<128x16xf32, #tpu.memory_space<hbm>>
      %dma_wait3A_29 = arith.constant 0 : i32
      %dma_wait3A_30 = tpu.memref_slice %arg10[%add3A_22, %dma_wait3A_29] : memref<10240x16xf32, #tpu.memory_space<vmem_shared>> -> memref<128x16xf32, #tpu.memory_space<vmem_shared>>
      tpu.wait_dma2 semaphore(%run_scoped3A : memref<!tpu.dma_semaphore, #tpu.memory_space<semaphore_mem>>) src(%dma_wait3A_30 : memref<128x16xf32, #tpu.memory_space<vmem_shared>>) dst(%dma_wait3A_28 : memref<128x16xf32, #tpu.memory_space<hbm>>)
      tpu.yield
    }) : () -> ()
    return
  }
}

module attributes {stable_mosaic.version = 14 : i64} {
  func.func @_tc1_body(%arg0: i32, %arg1: memref<512x128xf32, #tpu.memory_space<vmem>>, %arg2: memref<512x128xf32, #tpu.memory_space<vmem>>, %arg3: memref<128x128xf32, #tpu.memory_space<vmem>>, %arg4: memref<128x128xf32, #tpu.memory_space<vmem>>, %arg5: memref<128x128xf32, #tpu.memory_space<vmem>>, %arg6: memref<512x128xf32, #tpu.memory_space<vmem>>, %arg7: memref<512x128xf32, #tpu.memory_space<vmem>>, %arg8: memref<512x256xf32, #tpu.memory_space<vmem>>) attributes {dimension_semantics = [#tpu.dimension_semantics<arbitrary>], iteration_bounds = array<i64: 20>, scalar_prefetch = 0 : i64, scratch_operands = 0 : i64, tpu.core_type = #tpu.core_type<tc>, window_params = [{transform_indices = @transform_0, window_bounds = array<i64: 512, 128>}, {transform_indices = @transform_1, window_bounds = array<i64: 512, 128>}, {pipeline_mode = #tpu.pipeline_mode<synchronous>, transform_indices = @transform_2, window_bounds = array<i64: 128, 128>}, {pipeline_mode = #tpu.pipeline_mode<synchronous>, transform_indices = @transform_3, window_bounds = array<i64: 128, 128>}, {pipeline_mode = #tpu.pipeline_mode<synchronous>, transform_indices = @transform_4, window_bounds = array<i64: 128, 128>}, {transform_indices = @transform_5, window_bounds = array<i64: 512, 128>}, {transform_indices = @transform_6, window_bounds = array<i64: 512, 128>}, {transform_indices = @transform_7, window_bounds = array<i64: 512, 256>}]} {
    %get3A = arith.constant 0 : index
    %get3A_0 = arith.constant 0 : index
    %get3A_1 = vector.load %arg1[%get3A, %get3A_0] : memref<512x128xf32, #tpu.memory_space<vmem>>, vector<512x128xf32>
    %get3A_2 = arith.constant 0 : index
    %get3A_3 = arith.constant 0 : index
    %get3A_4 = vector.load %arg2[%get3A_2, %get3A_3] : memref<512x128xf32, #tpu.memory_space<vmem>>, vector<512x128xf32>
    %get3A_5 = arith.constant 0 : index
    %get3A_6 = arith.constant 0 : index
    %get3A_7 = vector.load %arg3[%get3A_5, %get3A_6] : memref<128x128xf32, #tpu.memory_space<vmem>>, vector<128x128xf32>
    %dot_general3A = arith.constant dense<0.000000e+00> : vector<512x128xf32>
    %dot_general3A_8 = tpu.matmul %get3A_1, %get3A_7, %dot_general3A {dimension_numbers = #tpu.dot_dimension_numbers<[1], [0], [0], [1], [0, 0, 1, 1], [], []>, transpose_lhs_hint = false} : vector<512x128xf32>, vector<128x128xf32>, vector<512x128xf32> -> vector<512x128xf32>
    %swap3A = arith.constant 0 : index
    %swap3A_9 = arith.constant 0 : index
    %swap3A_10 = vector.load %arg6[%swap3A, %swap3A_9] : memref<512x128xf32, #tpu.memory_space<vmem>>, vector<512x128xf32>
    tpu.vector_store %arg6[%swap3A, %swap3A_9], %dot_general3A_8 {strides = array<i32>} : memref<512x128xf32, #tpu.memory_space<vmem>>, vector<512x128xf32>,
    %get3A_11 = arith.constant 0 : index
    %get3A_12 = arith.constant 0 : index
    %get3A_13 = vector.load %arg4[%get3A_11, %get3A_12] : memref<128x128xf32, #tpu.memory_space<vmem>>, vector<128x128xf32>
    %dot_general3A_14 = arith.constant dense<0.000000e+00> : vector<512x128xf32>
    %dot_general3A_15 = tpu.matmul %get3A_1, %get3A_13, %dot_general3A_14 {dimension_numbers = #tpu.dot_dimension_numbers<[1], [0], [0], [1], [0, 0, 1, 1], [], []>, transpose_lhs_hint = false} : vector<512x128xf32>, vector<128x128xf32>, vector<512x128xf32> -> vector<512x128xf32>
    %swap3A_16 = arith.constant 0 : index
    %swap3A_17 = arith.constant 0 : index
    %swap3A_18 = vector.load %arg7[%swap3A_16, %swap3A_17] : memref<512x128xf32, #tpu.memory_space<vmem>>, vector<512x128xf32>
    tpu.vector_store %arg7[%swap3A_16, %swap3A_17], %dot_general3A_15 {strides = array<i32>} : memref<512x128xf32, #tpu.memory_space<vmem>>, vector<512x128xf32>,
    %get3A_19 = arith.constant 0 : index
    %get3A_20 = arith.constant 0 : index
    %get3A_21 = vector.load %arg5[%get3A_19, %get3A_20] : memref<128x128xf32, #tpu.memory_space<vmem>>, vector<128x128xf32>
    %dot_general3A_22 = arith.constant dense<0.000000e+00> : vector<512x128xf32>
    %dot_general3A_23 = tpu.matmul %get3A_4, %get3A_21, %dot_general3A_22 {dimension_numbers = #tpu.dot_dimension_numbers<[1], [0], [0], [1], [0, 0, 1, 1], [], []>, transpose_lhs_hint = false} : vector<512x128xf32>, vector<128x128xf32>, vector<512x128xf32> -> vector<512x128xf32>
    %swap3A_24 = arith.constant 0 : index
    %swap3A_25 = arith.constant 0 : index
    %swap3A_26 = vector.load %arg8[%swap3A_24, %swap3A_25] : memref<512x256xf32, #tpu.memory_space<vmem>>, vector<512x128xf32>
    tpu.vector_store %arg8[%swap3A_24, %swap3A_25], %dot_general3A_23 {strides = array<i32>} : memref<512x256xf32, #tpu.memory_space<vmem>>, vector<512x128xf32>,
    %swap3A_27 = arith.constant 0 : index
    %swap3A_28 = arith.constant 128 : index
    %swap3A_29 = vector.load %arg8[%swap3A_27, %swap3A_28] : memref<512x256xf32, #tpu.memory_space<vmem>>, vector<512x128xf32>
    tpu.vector_store %arg8[%swap3A_27, %swap3A_28], %get3A_4 {strides = array<i32>} : memref<512x256xf32, #tpu.memory_space<vmem>>, vector<512x128xf32>,
    return
  }
  func.func @transform_0(%arg0: i32) -> (i32, i32) {
    %c0_i32 = arith.constant 0 : i32
    %c0_i32_0 = arith.constant 0 : i32
    return %arg0, %c0_i32 : i32, i32
  }
  func.func @transform_1(%arg0: i32) -> (i32, i32) {
    %c0_i32 = arith.constant 0 : i32
    %c0_i32_0 = arith.constant 0 : i32
    return %arg0, %c0_i32 : i32, i32
  }
  func.func @transform_2(%arg0: i32) -> (i32, i32) {
    %c0_i32 = arith.constant 0 : i32
    %c0_i32_0 = arith.constant 0 : i32
    %c0_i32_1 = arith.constant 0 : i32
    return %c0_i32, %c0_i32_0 : i32, i32
  }
  func.func @transform_3(%arg0: i32) -> (i32, i32) {
    %c0_i32 = arith.constant 0 : i32
    %c0_i32_0 = arith.constant 0 : i32
    %c0_i32_1 = arith.constant 0 : i32
    return %c0_i32, %c0_i32_0 : i32, i32
  }
  func.func @transform_4(%arg0: i32) -> (i32, i32) {
    %c0_i32 = arith.constant 0 : i32
    %c0_i32_0 = arith.constant 0 : i32
    %c0_i32_1 = arith.constant 0 : i32
    return %c0_i32, %c0_i32_0 : i32, i32
  }
  func.func @transform_5(%arg0: i32) -> (i32, i32) {
    %c0_i32 = arith.constant 0 : i32
    %c0_i32_0 = arith.constant 0 : i32
    return %arg0, %c0_i32 : i32, i32
  }
  func.func @transform_6(%arg0: i32) -> (i32, i32) {
    %c0_i32 = arith.constant 0 : i32
    %c0_i32_0 = arith.constant 0 : i32
    return %arg0, %c0_i32 : i32, i32
  }
  func.func @transform_7(%arg0: i32) -> (i32, i32) {
    %c0_i32 = arith.constant 0 : i32
    %c0_i32_0 = arith.constant 0 : i32
    return %arg0, %c0_i32 : i32, i32
  }
}

module attributes {stable_mosaic.version = 14 : i64} {
  func.func @_tc2_body(%arg0: i32, %arg1: memref<1024x128xf32, #tpu.memory_space<vmem>>, %arg2: memref<1024x128xf32, #tpu.memory_space<vmem>>, %arg3: memref<1024x8xf32, #tpu.memory_space<vmem>>, %arg4: memref<128x128xf32, #tpu.memory_space<vmem>>, %arg5: memref<8x128xf32, #tpu.memory_space<vmem>>, %arg6: memref<1x128xf32, #tpu.memory_space<vmem>>, %arg7: memref<128x128xf32, #tpu.memory_space<vmem>>, %arg8: memref<1x128xf32, #tpu.memory_space<vmem>>, %arg9: memref<1024x128xf32, #tpu.memory_space<vmem>>) attributes {dimension_semantics = [#tpu.dimension_semantics<arbitrary>], iteration_bounds = array<i64: 316>, scalar_prefetch = 0 : i64, scratch_operands = 0 : i64, tpu.core_type = #tpu.core_type<tc>, window_params = [{transform_indices = @transform_0, window_bounds = array<i64: 1024, 128>}, {transform_indices = @transform_1, window_bounds = array<i64: 1024, 128>}, {transform_indices = @transform_2, window_bounds = array<i64: 1024, 8>}, {pipeline_mode = #tpu.pipeline_mode<synchronous>, transform_indices = @transform_3, window_bounds = array<i64: 128, 128>}, {pipeline_mode = #tpu.pipeline_mode<synchronous>, transform_indices = @transform_4, window_bounds = array<i64: 8, 128>}, {pipeline_mode = #tpu.pipeline_mode<synchronous>, transform_indices = @transform_5, window_bounds = array<i64: 1, 128>}, {pipeline_mode = #tpu.pipeline_mode<synchronous>, transform_indices = @transform_6, window_bounds = array<i64: 128, 128>}, {pipeline_mode = #tpu.pipeline_mode<synchronous>, transform_indices = @transform_7, window_bounds = array<i64: 1, 128>}, {transform_indices = @transform_8, window_bounds = array<i64: 1024, 128>}]} {
    %get3A = arith.constant 0 : index
    %get3A_0 = arith.constant 0 : index
    %get3A_1 = vector.load %arg2[%get3A, %get3A_0] : memref<1024x128xf32, #tpu.memory_space<vmem>>, vector<1024x128xf32>
    %get3A_2 = arith.constant 0 : index
    %get3A_3 = arith.constant 0 : index
    %get3A_4 = vector.load %arg1[%get3A_2, %get3A_3] : memref<1024x128xf32, #tpu.memory_space<vmem>>, vector<1024x128xf32>
    %get3A_5 = arith.constant 0 : index
    %get3A_6 = arith.constant 0 : index
    %get3A_7 = vector.load %arg4[%get3A_5, %get3A_6] : memref<128x128xf32, #tpu.memory_space<vmem>>, vector<128x128xf32>
    %dot_general3A = arith.constant dense<0.000000e+00> : vector<1024x128xf32>
    %dot_general3A_8 = tpu.matmul %get3A_1, %get3A_7, %dot_general3A {dimension_numbers = #tpu.dot_dimension_numbers<[1], [0], [0], [1], [0, 0, 1, 1], [], []>, transpose_lhs_hint = false} : vector<1024x128xf32>, vector<128x128xf32>, vector<1024x128xf32> -> vector<1024x128xf32>
    %add3A = arith.addf %get3A_4, %dot_general3A_8 : vector<1024x128xf32>
    %get3A_9 = arith.constant 0 : index
    %get3A_10 = arith.constant 0 : index
    %get3A_11 = vector.load %arg3[%get3A_9, %get3A_10] : memref<1024x8xf32, #tpu.memory_space<vmem>>, vector<1024x8xf32>
    %get3A_12 = arith.constant 0 : index
    %get3A_13 = arith.constant 0 : index
    %get3A_14 = vector.load %arg5[%get3A_12, %get3A_13] : memref<8x128xf32, #tpu.memory_space<vmem>>, vector<8x128xf32>
    %dot_general3A_15 = arith.constant dense<0.000000e+00> : vector<1024x128xf32>
    %dot_general3A_16 = tpu.matmul %get3A_11, %get3A_14, %dot_general3A_15 {dimension_numbers = #tpu.dot_dimension_numbers<[1], [0], [0], [1], [0, 0, 1, 1], [], []>, transpose_lhs_hint = false} : vector<1024x8xf32>, vector<8x128xf32>, vector<1024x128xf32> -> vector<1024x128xf32>
    %add3A_17 = arith.addf %add3A, %dot_general3A_16 : vector<1024x128xf32>
    %get3A_18 = arith.constant 0 : index
    %get3A_19 = arith.constant 0 : index
    %get3A_20 = vector.load %arg6[%get3A_18, %get3A_19] : memref<1x128xf32, #tpu.memory_space<vmem>>, vector<1x128xf32>
    %add3A_21 = vector.broadcast %get3A_20 : vector<1x128xf32> to vector<1024x128xf32>
    %add3A_22 = arith.addf %add3A_17, %add3A_21 : vector<1024x128xf32>
    %max3A = arith.constant 0.000000e+00 : f32
    %max3A_23 = vector.broadcast %max3A : f32 to vector<1024x128xf32>
    %max3A_24 = arith.maximumf %add3A_22, %max3A_23 : vector<1024x128xf32>
    %get3A_25 = arith.constant 0 : index
    %get3A_26 = arith.constant 0 : index
    %get3A_27 = vector.load %arg7[%get3A_25, %get3A_26] : memref<128x128xf32, #tpu.memory_space<vmem>>, vector<128x128xf32>
    %dot_general3A_28 = arith.constant dense<0.000000e+00> : vector<1024x128xf32>
    %dot_general3A_29 = tpu.matmul %max3A_24, %get3A_27, %dot_general3A_28 {dimension_numbers = #tpu.dot_dimension_numbers<[1], [0], [0], [1], [0, 0, 1, 1], [], []>, transpose_lhs_hint = false} : vector<1024x128xf32>, vector<128x128xf32>, vector<1024x128xf32> -> vector<1024x128xf32>
    %get3A_30 = arith.constant 0 : index
    %get3A_31 = arith.constant 0 : index
    %get3A_32 = vector.load %arg8[%get3A_30, %get3A_31] : memref<1x128xf32, #tpu.memory_space<vmem>>, vector<1x128xf32>
    %add3A_33 = vector.broadcast %get3A_32 : vector<1x128xf32> to vector<1024x128xf32>
    %add3A_34 = arith.addf %dot_general3A_29, %add3A_33 : vector<1024x128xf32>
    %mul3A = arith.mulf %add3A_34, %get3A_1 : vector<1024x128xf32>
    %swap3A = arith.constant 0 : index
    %swap3A_35 = arith.constant 0 : index
    %swap3A_36 = vector.load %arg9[%swap3A, %swap3A_35] : memref<1024x128xf32, #tpu.memory_space<vmem>>, vector<1024x128xf32>
    tpu.vector_store %arg9[%swap3A, %swap3A_35], %mul3A {strides = array<i32>} : memref<1024x128xf32, #tpu.memory_space<vmem>>, vector<1024x128xf32>,
    return
  }
  func.func @transform_0(%arg0: i32) -> (i32, i32) {
    %c0_i32 = arith.constant 0 : i32
    %c0_i32_0 = arith.constant 0 : i32
    return %arg0, %c0_i32 : i32, i32
  }
  func.func @transform_1(%arg0: i32) -> (i32, i32) {
    %c0_i32 = arith.constant 0 : i32
    %c0_i32_0 = arith.constant 0 : i32
    return %arg0, %c0_i32 : i32, i32
  }
  func.func @transform_2(%arg0: i32) -> (i32, i32) {
    %c0_i32 = arith.constant 0 : i32
    %c0_i32_0 = arith.constant 0 : i32
    return %arg0, %c0_i32 : i32, i32
  }
  func.func @transform_3(%arg0: i32) -> (i32, i32) {
    %c0_i32 = arith.constant 0 : i32
    %c0_i32_0 = arith.constant 0 : i32
    %c0_i32_1 = arith.constant 0 : i32
    return %c0_i32, %c0_i32_0 : i32, i32
  }
  func.func @transform_4(%arg0: i32) -> (i32, i32) {
    %c0_i32 = arith.constant 0 : i32
    %c0_i32_0 = arith.constant 0 : i32
    %c0_i32_1 = arith.constant 0 : i32
    return %c0_i32, %c0_i32_0 : i32, i32
  }
  func.func @transform_5(%arg0: i32) -> (i32, i32) {
    %c0_i32 = arith.constant 0 : i32
    %c0_i32_0 = arith.constant 0 : i32
    %c0_i32_1 = arith.constant 0 : i32
    return %c0_i32, %c0_i32_0 : i32, i32
  }
  func.func @transform_6(%arg0: i32) -> (i32, i32) {
    %c0_i32 = arith.constant 0 : i32
    %c0_i32_0 = arith.constant 0 : i32
    %c0_i32_1 = arith.constant 0 : i32
    return %c0_i32, %c0_i32_0 : i32, i32
  }
  func.func @transform_7(%arg0: i32) -> (i32, i32) {
    %c0_i32 = arith.constant 0 : i32
    %c0_i32_0 = arith.constant 0 : i32
    %c0_i32_1 = arith.constant 0 : i32
    return %c0_i32, %c0_i32_0 : i32, i32
  }
  func.func @transform_8(%arg0: i32) -> (i32, i32) {
    %c0_i32 = arith.constant 0 : i32
    %c0_i32_0 = arith.constant 0 : i32
    return %arg0, %c0_i32 : i32, i32
  }
}

module attributes {stable_mosaic.version = 14 : i64} {
  func.func @_tc3_body(%arg0: i32, %arg1: memref<512x128xf32, #tpu.memory_space<vmem>>, %arg2: memref<512x256xf32, #tpu.memory_space<vmem>>, %arg3: memref<512x128xf32, #tpu.memory_space<vmem>>, %arg4: memref<512x8xf32, #tpu.memory_space<vmem>>, %arg5: memref<2x512x128xf32, #tpu.memory_space<vmem>>, %arg6: memref<2x512x16xf32, #tpu.memory_space<vmem>>, %arg7: memref<8x128xf32, #tpu.memory_space<vmem>>, %arg8: memref<1x128xf32, #tpu.memory_space<vmem>>, %arg9: memref<128x128xf32, #tpu.memory_space<vmem>>, %arg10: memref<1x128xf32, #tpu.memory_space<vmem>>, %arg11: memref<128x128xf32, #tpu.memory_space<vmem>>, %arg12: memref<1x128xf32, #tpu.memory_space<vmem>>, %arg13: memref<128x128xf32, #tpu.memory_space<vmem>>, %arg14: memref<1x128xf32, #tpu.memory_space<vmem>>, %arg15: memref<512x128xf32, #tpu.memory_space<vmem>>) attributes {dimension_semantics = [#tpu.dimension_semantics<arbitrary>], iteration_bounds = array<i64: 20>, scalar_prefetch = 0 : i64, scratch_operands = 0 : i64, tpu.core_type = #tpu.core_type<tc>, window_params = [{transform_indices = @transform_0, window_bounds = array<i64: 512, 128>}, {transform_indices = @transform_1, window_bounds = array<i64: 512, 256>}, {transform_indices = @transform_2, window_bounds = array<i64: 512, 128>}, {transform_indices = @transform_3, window_bounds = array<i64: 512, 8>}, {transform_indices = @transform_4, window_bounds = array<i64: 2, 512, 128>}, {transform_indices = @transform_5, window_bounds = array<i64: 2, 512, 16>}, {pipeline_mode = #tpu.pipeline_mode<synchronous>, transform_indices = @transform_6, window_bounds = array<i64: 8, 128>}, {pipeline_mode = #tpu.pipeline_mode<synchronous>, transform_indices = @transform_7, window_bounds = array<i64: 1, 128>}, {pipeline_mode = #tpu.pipeline_mode<synchronous>, transform_indices = @transform_8, window_bounds = array<i64: 128, 128>}, {pipeline_mode = #tpu.pipeline_mode<synchronous>, transform_indices = @transform_9, window_bounds = array<i64: 1, 128>}, {pipeline_mode = #tpu.pipeline_mode<synchronous>, transform_indices = @transform_10, window_bounds = array<i64: 128, 128>}, {pipeline_mode = #tpu.pipeline_mode<synchronous>, transform_indices = @transform_11, window_bounds = array<i64: 1, 128>}, {pipeline_mode = #tpu.pipeline_mode<synchronous>, transform_indices = @transform_12, window_bounds = array<i64: 128, 128>}, {pipeline_mode = #tpu.pipeline_mode<synchronous>, transform_indices = @transform_13, window_bounds = array<i64: 1, 128>}, {transform_indices = @transform_14, window_bounds = array<i64: 512, 128>}]} {
    %get3A = arith.constant 0 : index
    %get3A_0 = arith.constant 0 : index
    %get3A_1 = vector.load %arg2[%get3A, %get3A_0] : memref<512x256xf32, #tpu.memory_space<vmem>>, vector<512x256xf32>
    %get3A_2 = arith.constant 0 : index
    %get3A_3 = arith.constant 0 : index
    %get3A_4 = vector.load %arg3[%get3A_2, %get3A_3] : memref<512x128xf32, #tpu.memory_space<vmem>>, vector<512x128xf32>
    %slice3A = vector.extract_strided_slice %get3A_1 {offsets = [0, 0], sizes = [512, 128], strides = [1, 1]} : vector<512x256xf32> to vector<512x128xf32>
    %add3A = arith.addf %get3A_4, %slice3A : vector<512x128xf32>
    %get3A_5 = arith.constant 0 : index
    %get3A_6 = arith.constant 0 : index
    %get3A_7 = vector.load %arg4[%get3A_5, %get3A_6] : memref<512x8xf32, #tpu.memory_space<vmem>>, vector<512x8xf32>
    %get3A_8 = arith.constant 0 : index
    %get3A_9 = arith.constant 0 : index
    %get3A_10 = vector.load %arg7[%get3A_8, %get3A_9] : memref<8x128xf32, #tpu.memory_space<vmem>>, vector<8x128xf32>
    %dot_general3A = arith.constant dense<0.000000e+00> : vector<512x128xf32>
    %dot_general3A_11 = tpu.matmul %get3A_7, %get3A_10, %dot_general3A {dimension_numbers = #tpu.dot_dimension_numbers<[1], [0], [0], [1], [0, 0, 1, 1], [], []>, transpose_lhs_hint = false} : vector<512x8xf32>, vector<8x128xf32>, vector<512x128xf32> -> vector<512x128xf32>
    %add3A_12 = arith.addf %add3A, %dot_general3A_11 : vector<512x128xf32>
    %get3A_13 = arith.constant 0 : index
    %get3A_14 = arith.constant 0 : index
    %get3A_15 = vector.load %arg8[%get3A_13, %get3A_14] : memref<1x128xf32, #tpu.memory_space<vmem>>, vector<1x128xf32>
    %add3A_16 = vector.broadcast %get3A_15 : vector<1x128xf32> to vector<512x128xf32>
    %add3A_17 = arith.addf %add3A_12, %add3A_16 : vector<512x128xf32>
    %max3A = arith.constant 0.000000e+00 : f32
    %max3A_18 = vector.broadcast %max3A : f32 to vector<512x128xf32>
    %max3A_19 = arith.maximumf %add3A_17, %max3A_18 : vector<512x128xf32>
    %get3A_20 = arith.constant 0 : index
    %get3A_21 = arith.constant 0 : index
    %get3A_22 = vector.load %arg9[%get3A_20, %get3A_21] : memref<128x128xf32, #tpu.memory_space<vmem>>, vector<128x128xf32>
    %dot_general3A_23 = arith.constant dense<0.000000e+00> : vector<512x128xf32>
    %dot_general3A_24 = tpu.matmul %max3A_19, %get3A_22, %dot_general3A_23 {dimension_numbers = #tpu.dot_dimension_numbers<[1], [0], [0], [1], [0, 0, 1, 1], [], []>, transpose_lhs_hint = false} : vector<512x128xf32>, vector<128x128xf32>, vector<512x128xf32> -> vector<512x128xf32>
    %get3A_25 = arith.constant 0 : index
    %get3A_26 = arith.constant 0 : index
    %get3A_27 = vector.load %arg10[%get3A_25, %get3A_26] : memref<1x128xf32, #tpu.memory_space<vmem>>, vector<1x128xf32>
    %add3A_28 = vector.broadcast %get3A_27 : vector<1x128xf32> to vector<512x128xf32>
    %add3A_29 = arith.addf %dot_general3A_24, %add3A_28 : vector<512x128xf32>
    %get3A_30 = arith.constant 0 : index
    %get3A_31 = arith.constant 0 : index
    %get3A_32 = arith.constant 0 : index
    %get3A_33 = vector.load %arg5[%get3A_30, %get3A_31, %get3A_32] : memref<2x512x128xf32, #tpu.memory_space<vmem>>, vector<1x512x128xf32>
    %get3A_34 = vector.shape_cast %get3A_33 : vector<1x512x128xf32> to vector<512x128xf32>
    %get3A_35 = arith.constant 1 : index
    %get3A_36 = arith.constant 0 : index
    %get3A_37 = arith.constant 0 : index
    %get3A_38 = vector.load %arg5[%get3A_35, %get3A_36, %get3A_37] : memref<2x512x128xf32, #tpu.memory_space<vmem>>, vector<1x512x128xf32>
    %get3A_39 = vector.shape_cast %get3A_38 : vector<1x512x128xf32> to vector<512x128xf32>
    %add3A_40 = arith.addf %get3A_34, %get3A_39 : vector<512x128xf32>
    %get3A_41 = arith.constant 0 : index
    %get3A_42 = arith.constant 0 : index
    %get3A_43 = arith.constant 0 : index
    %get3A_44 = vector.load %arg6[%get3A_41, %get3A_42, %get3A_43] : memref<2x512x16xf32, #tpu.memory_space<vmem>>, vector<1x512x1xf32>
    %get3A_45 = vector.shape_cast %get3A_44 : vector<1x512x1xf32> to vector<512x1xf32>
    %get3A_46 = arith.constant 1 : index
    %get3A_47 = arith.constant 0 : index
    %get3A_48 = arith.constant 0 : index
    %get3A_49 = vector.load %arg6[%get3A_46, %get3A_47, %get3A_48] : memref<2x512x16xf32, #tpu.memory_space<vmem>>, vector<1x512x1xf32>
    %get3A_50 = vector.shape_cast %get3A_49 : vector<1x512x1xf32> to vector<512x1xf32>
    %add3A_51 = arith.addf %get3A_45, %get3A_50 : vector<512x1xf32>
    %max3A_52 = arith.constant 1.000000e+00 : f32
    %max3A_53 = vector.broadcast %max3A_52 : f32 to vector<512x1xf32>
    %max3A_54 = arith.maximumf %add3A_51, %max3A_53 : vector<512x1xf32>
    %div3A = vector.broadcast %max3A_54 : vector<512x1xf32> to vector<512x128xf32>
    %div3A_55 = arith.divf %add3A_40, %div3A : vector<512x128xf32>
    %get3A_56 = arith.constant 0 : index
    %get3A_57 = arith.constant 0 : index
    %get3A_58 = vector.load %arg1[%get3A_56, %get3A_57] : memref<512x128xf32, #tpu.memory_space<vmem>>, vector<512x128xf32>
    %slice3A_59 = vector.extract_strided_slice %get3A_1 {offsets = [0, 128], sizes = [512, 128], strides = [1, 1]} : vector<512x256xf32> to vector<512x128xf32>
    %mul3A = arith.mulf %add3A_29, %slice3A_59 : vector<512x128xf32>
    %add3A_60 = arith.addf %get3A_58, %mul3A : vector<512x128xf32>
    %add3A_61 = arith.addf %add3A_60, %div3A_55 : vector<512x128xf32>
    %get3A_62 = arith.constant 0 : index
    %get3A_63 = arith.constant 0 : index
    %get3A_64 = vector.load %arg11[%get3A_62, %get3A_63] : memref<128x128xf32, #tpu.memory_space<vmem>>, vector<128x128xf32>
    %dot_general3A_65 = arith.constant dense<0.000000e+00> : vector<512x128xf32>
    %dot_general3A_66 = tpu.matmul %add3A_61, %get3A_64, %dot_general3A_65 {dimension_numbers = #tpu.dot_dimension_numbers<[1], [0], [0], [1], [0, 0, 1, 1], [], []>, transpose_lhs_hint = false} : vector<512x128xf32>, vector<128x128xf32>, vector<512x128xf32> -> vector<512x128xf32>
    %get3A_67 = arith.constant 0 : index
    %get3A_68 = arith.constant 0 : index
    %get3A_69 = vector.load %arg12[%get3A_67, %get3A_68] : memref<1x128xf32, #tpu.memory_space<vmem>>, vector<1x128xf32>
    %add3A_70 = vector.broadcast %get3A_69 : vector<1x128xf32> to vector<512x128xf32>
    %add3A_71 = arith.addf %dot_general3A_66, %add3A_70 : vector<512x128xf32>
    %max3A_72 = arith.constant 0.000000e+00 : f32
    %max3A_73 = vector.broadcast %max3A_72 : f32 to vector<512x128xf32>
    %max3A_74 = arith.maximumf %add3A_71, %max3A_73 : vector<512x128xf32>
    %get3A_75 = arith.constant 0 : index
    %get3A_76 = arith.constant 0 : index
    %get3A_77 = vector.load %arg13[%get3A_75, %get3A_76] : memref<128x128xf32, #tpu.memory_space<vmem>>, vector<128x128xf32>
    %dot_general3A_78 = arith.constant dense<0.000000e+00> : vector<512x128xf32>
    %dot_general3A_79 = tpu.matmul %max3A_74, %get3A_77, %dot_general3A_78 {dimension_numbers = #tpu.dot_dimension_numbers<[1], [0], [0], [1], [0, 0, 1, 1], [], []>, transpose_lhs_hint = false} : vector<512x128xf32>, vector<128x128xf32>, vector<512x128xf32> -> vector<512x128xf32>
    %get3A_80 = arith.constant 0 : index
    %get3A_81 = arith.constant 0 : index
    %get3A_82 = vector.load %arg14[%get3A_80, %get3A_81] : memref<1x128xf32, #tpu.memory_space<vmem>>, vector<1x128xf32>
    %add3A_83 = vector.broadcast %get3A_82 : vector<1x128xf32> to vector<512x128xf32>
    %add3A_84 = arith.addf %dot_general3A_79, %add3A_83 : vector<512x128xf32>
    %swap3A = arith.constant 0 : index
    %swap3A_85 = arith.constant 0 : index
    %swap3A_86 = vector.load %arg15[%swap3A, %swap3A_85] : memref<512x128xf32, #tpu.memory_space<vmem>>, vector<512x128xf32>
    tpu.vector_store %arg15[%swap3A, %swap3A_85], %add3A_84 {strides = array<i32>} : memref<512x128xf32, #tpu.memory_space<vmem>>, vector<512x128xf32>,
    return
  }
  func.func @transform_0(%arg0: i32) -> (i32, i32) {
    %c0_i32 = arith.constant 0 : i32
    %c0_i32_0 = arith.constant 0 : i32
    return %arg0, %c0_i32 : i32, i32
  }
  func.func @transform_1(%arg0: i32) -> (i32, i32) {
    %c0_i32 = arith.constant 0 : i32
    %c0_i32_0 = arith.constant 0 : i32
    return %arg0, %c0_i32 : i32, i32
  }
  func.func @transform_2(%arg0: i32) -> (i32, i32) {
    %c0_i32 = arith.constant 0 : i32
    %c0_i32_0 = arith.constant 0 : i32
    return %arg0, %c0_i32 : i32, i32
  }
  func.func @transform_3(%arg0: i32) -> (i32, i32) {
    %c0_i32 = arith.constant 0 : i32
    %c0_i32_0 = arith.constant 0 : i32
    return %arg0, %c0_i32 : i32, i32
  }
  func.func @transform_4(%arg0: i32) -> (i32, i32, i32) {
    %c0_i32 = arith.constant 0 : i32
    %c0_i32_0 = arith.constant 0 : i32
    %c0_i32_1 = arith.constant 0 : i32
    return %c0_i32, %arg0, %c0_i32_0 : i32, i32, i32
  }
  func.func @transform_5(%arg0: i32) -> (i32, i32, i32) {
    %c0_i32 = arith.constant 0 : i32
    %c0_i32_0 = arith.constant 0 : i32
    %c0_i32_1 = arith.constant 0 : i32
    return %c0_i32, %arg0, %c0_i32_0 : i32, i32, i32
  }
  func.func @transform_6(%arg0: i32) -> (i32, i32) {
    %c0_i32 = arith.constant 0 : i32
    %c0_i32_0 = arith.constant 0 : i32
    %c0_i32_1 = arith.constant 0 : i32
    return %c0_i32, %c0_i32_0 : i32, i32
  }
  func.func @transform_7(%arg0: i32) -> (i32, i32) {
    %c0_i32 = arith.constant 0 : i32
    %c0_i32_0 = arith.constant 0 : i32
    %c0_i32_1 = arith.constant 0 : i32
    return %c0_i32, %c0_i32_0 : i32, i32
  }
  func.func @transform_8(%arg0: i32) -> (i32, i32) {
    %c0_i32 = arith.constant 0 : i32
    %c0_i32_0 = arith.constant 0 : i32
    %c0_i32_1 = arith.constant 0 : i32
    return %c0_i32, %c0_i32_0 : i32, i32
  }
  func.func @transform_9(%arg0: i32) -> (i32, i32) {
    %c0_i32 = arith.constant 0 : i32
    %c0_i32_0 = arith.constant 0 : i32
    %c0_i32_1 = arith.constant 0 : i32
    return %c0_i32, %c0_i32_0 : i32, i32
  }
  func.func @transform_10(%arg0: i32) -> (i32, i32) {
    %c0_i32 = arith.constant 0 : i32
    %c0_i32_0 = arith.constant 0 : i32
    %c0_i32_1 = arith.constant 0 : i32
    return %c0_i32, %c0_i32_0 : i32, i32
  }
  func.func @transform_11(%arg0: i32) -> (i32, i32) {
    %c0_i32 = arith.constant 0 : i32
    %c0_i32_0 = arith.constant 0 : i32
    %c0_i32_1 = arith.constant 0 : i32
    return %c0_i32, %c0_i32_0 : i32, i32
  }
  func.func @transform_12(%arg0: i32) -> (i32, i32) {
    %c0_i32 = arith.constant 0 : i32
    %c0_i32_0 = arith.constant 0 : i32
    %c0_i32_1 = arith.constant 0 : i32
    return %c0_i32, %c0_i32_0 : i32, i32
  }
  func.func @transform_13(%arg0: i32) -> (i32, i32) {
    %c0_i32 = arith.constant 0 : i32
    %c0_i32_0 = arith.constant 0 : i32
    %c0_i32_1 = arith.constant 0 : i32
    return %c0_i32, %c0_i32_0 : i32, i32
  }
  func.func @transform_14(%arg0: i32) -> (i32, i32) {
    %c0_i32 = arith.constant 0 : i32
    %c0_i32_0 = arith.constant 0 : i32
    return %arg0, %c0_i32 : i32, i32
  }
}

</mosaic_0001>

<sc_bundles>
// kernel: kernel.10.cloned.1.call-start
scs
__scs_entry_jumppad:
0x0: {  	(pc) =	sbr.rel $0x88, $3  }
0x1: {  	(tag) =	ssettag $0x0;
	lr =	simm.s32 $0x1  }
0x2: {  	[smem:$0x3F8F] =	sst lr;
	_ =	strace $0xD0000000  }
0x3: {  	_ = 	snop  }
0x4: {  	_ = 	snop  }
0x5: {  	_ = 	snop  }
0x6: {  	_ = 	snop  }
0x7: {  	_ = 	snop  }
__scs_overlays_trampoline_lowered:
0x8: {  	[smem:$0x3F9E] =	sst s0  }
0x9: {  	[smem:$0x3F9F] =	sst s1  }
0xa: {  	[smem:$0x3FA0] =	sst s2  }
0xb: {  	[smem:$0x3FA1] =	sst s3  }
0xc: {  	[smem:$0x3FA2] =	sst s4  }
0xd: {  	[smem:$0x3FA3] =	sst s5  }
0xe: {  	[smem:$0x3FA4] =	sst s6  }
0xf: {  	[smem:$0x3FA5] =	sst s7  }
0x10: {  	[smem:$0x3FA6] =	sst s8  }
0x11: {  	[smem:$0x3FA7] =	sst s9;
	s0 =	simm.s32 @!p0 $0x0  }
0x12: {  	s1 =	sld [smem:$0x3F8D];
	s0 =	simm.s32 @p0 $0x1  }
0x13: {  	[smem:$0x3FA8] =	sst s0;
	s0 =	simm.s32 @!p1 $0x0  }
0x14: {  	s2 =	sld [smem:$0x3F8C];
	s0 =	simm.s32 @p1 $0x1  }
0x15: {  	[smem:$0x3FA9] =	sst s0;
	s0 =	simm.s32 @!p2 $0x0  }
0x16: {  	s3 =	sld [smem:$0x3FDB];
	s0 =	simm.s32 @p2 $0x1  }
0x17: {  	s4 =	simm.s32 $0x1BF5;
	[smem:$0x3FAB] =	sst s0  }
0x18: {  	s0 =	sld [smem:$0x3F8E];
	_ =	swait.ge [sflag:s4], $0x0  }
0x19: {  	s7 =	sld [smem:$0x3F8F]  }
0x1a: {  	s8 =	sadd.s32 $0xFFFFE003, lr  }
0x1b: {  	s9 =	sadd.s32 $0xFFFFFEF7, lr;
	s5 =	simm.s32 $0xFFFFFFFF;
	p2 =	slt.u32 s8, $0xFFFFF086  }
0x1c: {  	p1 =	slt.u32 s9, $0xF7A;
	s5 =	simm.s32 @!p2 $0x0  }
0x1d: {  	s5 =	simm.s32 @p1 $0x1;
	p0 =	seq.s32 s7, s2  }
0x1e: {  	s7 =	smul.u32 @!p0 $0xF7A, s2;
	p2 =	seq.s32 @!p0 s5, $0x0  }
0x1f: {  	s9 =	smul.u32 $0xF7A, s1;
	s8 =	simm.s32 @!p0 $0x1BF5;
	p2 =	por !p2, p0  }
0x20: {  	[sflag:s8] =	ssyncset.s32 @!p0 $0xFFFFF086;
	s6 =	sadd.s32 @!p0 s3, s7;
	s7 =	simm.s32 @!p0 $0x108  }
0x21: {  	s3 =	sadd.s32 s3, s9;
	s6 =	sadd.s32 @!p0 $0x88, s6;
	s7 =	simm.s32 @p2 $0x1082  }
0x22: {  	[simem:s7], [sflag:s8] =	dma.local @!p0 [hbm:s6], $0xF7A  }
0x23: {  	s9 =	sor.u32 $0xD0000000, s2;
	s6 =	simm.s32 $0x108;
	_ =	swait.ge @!p0 [sflag:s8], $0x0  }
0x24: {  	s3 =	sadd.s32 $0x88, s3;
	s6 =	simm.s32 @!p1 $0x1082;
	[sflag:s4] =	ssyncset.s32 $0xFFFFF086  }
0x25: {  	[simem:s6], [sflag:s4] =	dma.local [hbm:s3], $0xF7A  }
0x26: {  	[smem:$0x3F8F] =	sst s1;
	(tag) =	ssettag s2;
	_ =	strace s9  }
0x27: {  	s1 =	sld [smem:$0x3F9F]  }
0x28: {  	s2 =	sld [smem:$0x3FA0]  }
0x29: {  	s4 =	sld [smem:$0x3FA2]  }
0x2a: {  	p0 =	seq.s32 s5, $0x0;
	s5 =	sld [smem:$0x3FA3]  }
0x2b: {  	s6 =	sld [smem:$0x3FA4]  }
0x2c: {  	s7 =	sld [smem:$0x3FA5]  }
0x2d: {  	s3 =	simm.s32 $0x108;
	s8 =	sld [smem:$0x3FA6]  }
0x2e: {  	s3 =	simm.s32 @!p0 $0x1082;
	s9 =	sld [smem:$0x3FA7]  }
0x2f: {  	lr =	sadd.s32 s0, s3;
	s0 =	sld [smem:$0x3F9E]  }
0x30: {  	s3 =	sld [smem:$0x3FA1]  }
0x31: {  	[smem:$0x3FAA] =	sst s10  }
0x32: {  	s10 =	sld [smem:$0x3FA8];
	_ =	sdelay $0x3  }
0x33: {  	p0 =	seq.s32 s10, $0x1;
	s10 =	sld [smem:$0x3FAA];
	_ =	sdelay $0x3  }
0x34: {  	[smem:$0x3FAA] =	sst s10  }
0x35: {  	s10 =	sld [smem:$0x3FA9];
	_ =	sdelay $0x3  }
0x36: {  	p1 =	seq.s32 s10, $0x1;
	s10 =	sld [smem:$0x3FAA];
	_ =	sdelay $0x3  }
0x37: {  	[smem:$0x3FAA] =	sst s10  }
0x38: {  	s10 =	sld [smem:$0x3FAB]  }
0x39: {  	_ = 	snop;
	(pc) =	sbr.ind lr, $3  }
0x3a: {  	_ = 	snop  }
0x3b: {  	_ = 	snop  }
0x3c: {  	p2 =	seq.s32 s10, $0x1;
	s10 =	sld [smem:$0x3FAA]  }
0x3d: {  	_ =	shalt  }
0x3e: {  	_ =	shalt  }
0x3f: {  	_ =	shalt  }
0x40: {  	_ =	shalt  }
0x41: {  	_ =	shalt  }
0x42: {  	_ =	shalt  }
0x43: {  	_ =	shalt  }
0x44: {  	_ =	shalt  }
0x45: {  	_ =	shalt  }
0x46: {  	_ =	shalt  }
0x47: {  	_ =	shalt  }
0x48: {  	_ =	shalt  }
0x49: {  	_ =	shalt  }
0x4a: {  	_ =	shalt  }
0x4b: {  	_ =	shalt  }
0x4c: {  	_ =	shalt  }
0x4d: {  	_ =	shalt  }
0x4e: {  	_ =	shalt  }
0x4f: {  	_ =	shalt  }
0x50: {  	_ =	shalt  }
0x51: {  	_ =	shalt  }
0x52: {  	_ =	shalt  }
0x53: {  	_ =	shalt  }
0x54: {  	_ =	shalt  }
0x55: {  	_ =	shalt  }
0x56: {  	_ =	shalt  }
0x57: {  	_ =	shalt  }
0x58: {  	_ =	shalt  }
0x59: {  	_ =	shalt  }
0x5a: {  	_ =	shalt  }
0x5b: {  	_ =	shalt  }
0x5c: {  	_ =	shalt  }
0x5d: {  	_ =	shalt  }
0x5e: {  	_ =	shalt  }
0x5f: {  	_ =	shalt  }
0x60: {  	_ =	shalt  }
0x61: {  	_ =	shalt  }
0x62: {  	_ =	shalt  }
0x63: {  	_ =	shalt  }
0x64: {  	_ =	shalt  }
0x65: {  	_ =	shalt  }
0x66: {  	_ =	shalt  }
0x67: {  	_ =	shalt  }
0x68: {  	_ =	shalt  }
0x69: {  	_ =	shalt  }
0x6a: {  	_ =	shalt  }
0x6b: {  	_ =	shalt  }
0x6c: {  	_ =	shalt  }
0x6d: {  	_ =	shalt  }
0x6e: {  	_ =	shalt  }
0x6f: {  	_ =	shalt  }
0x70: {  	_ =	shalt  }
0x71: {  	_ =	shalt  }
0x72: {  	_ =	shalt  }
0x73: {  	_ =	shalt  }
0x74: {  	_ =	shalt  }
0x75: {  	_ =	shalt  }
0x76: {  	_ =	shalt  }
0x77: {  	_ =	shalt  }
0x78: {  	_ =	shalt  }
0x79: {  	_ =	shalt  }
0x7a: {  	_ =	shalt  }
0x7b: {  	_ =	shalt  }
0x7c: {  	_ =	shalt  }
0x7d: {  	_ =	shalt  }
0x7e: {  	_ =	shalt  }
0x7f: {  	_ =	shalt  }
0x80: {  	_ =	shalt  }
0x81: {  	_ =	shalt  }
0x82: {  	_ =	shalt  }
0x83: {  	_ =	shalt  }
0x84: {  	_ =	shalt  }
0x85: {  	_ =	shalt  }
0x86: {  	_ =	shalt  }
0x87: {  	_ =	shalt  }
.Lfunc_end0:
.L_simem_size_0:
called_computation.1_lowered:
.L_overlay_start_0:
0x88: {  	s2 =	sld [smem:$0x3FD9]  }
0x89: {  	s3 =	sld [smem:$0x3FFE];
	_ =	sdelay $0x1  }
0x8a: {  	s1 =	srdreg.scid  }
0x8b: {  	s0 =	sand.u32 $0x1, s1  }
0x8c: {  	s17 =	sshll.u32 s0, $0xA;
	s2 =	sadd.s32 s3, s2  }
0x8d: {  	s2 =	sadd.s32 s2, s17  }
0x8e: {  	[smem:$0x3FB6] =	sst s2  }
0x8f: {  	_ = 	snop  }
0x90: {  	s2 =	sld [smem:$0x3FD0];
	(tm) =	ssettm $0x1  }
0x91: {  	s18 =	sld [smem:$0x3FFB];
	_ =	sdelay $0x3  }
0x92: {  	_ =	strace s18  }
0x93: {  	s3 =	sld [smem:$0x3FFC];
	_ =	sdelay $0x3  }
0x94: {  	_ =	strace s3  }
0x95: {  	s3 =	sld [smem:$0x3FFD];
	_ =	sdelay $0x3  }
0x96: {  	_ =	strace s3  }
0x97: {  	_ =	strace $0x8FFFFFFF  }
0x98: {  	s19 =	sld [smem:$0x3FDB];
	_ =	sdelay $0x1  }
0x99: {  	s4 =	simm.s32 $_scs_section_size  }
0x9a: {  	s5 =	simm.s32 $_size__tile_overlayer_lowered;
	s6 =	simm.s32 $_tile_overlayer_lowered  }
0x9b: {  	s22 =	simm.s32 $0x1BFF;
	s21 =	sshll.u32 s6, $0x1;
	s3 =	sadd.s32 s4, s19  }
0x9c: {  	s7 =	simm.s32 $0x0;
	s20 =	sshll.u32 s5, $0x1;
	s5 =	sadd.s32 s21, s3  }
0x9d: {  	[timem:s7], [sflag:s22] =	dma.local [hbm:s5], s20  }
0x9e: {  	_ =	swait.ge [sflag:s22], s20  }
0x9f: {  	s4 =	ssub.s32 $0x0, s20;
	[sflag:s22] =	ssyncset.done $0x0  }
0xa0: {  	[sflag:s22] =	ssyncadd.s32 s4;
	_ =	sdelay $0x1  }
0xa1: {  	s23 =	simm.s32 $0x1B8B  }
0xa2: {  	_ =	swait.ge [sflag:s23], $0x1  }
0xa3: {  	[sflag:s23] =	ssyncset.done $0x0  }
0xa4: {  	s25 =	simm.s32 $0x1B8E;
	s24 =	sld [smem:$0x3FFE];
	[sflag:s23] =	ssyncadd.s32 $0xFFFFFFFF  }
0xa5: {  	s26 =	simm.s32 $execute0_lowered;
	[smem:$0x3FD2] =	sst s25  }
0xa6: {  	s5 =	sshll.u32 s26, $0x1;
	_ =	strace $0x80000049;
	[dreg:$0x1] =	wrdreg $0xFFFFFFFF  }
0xa7: {  	s28 =	simm.s32 $_size_execute0_lowered;
	s3 =	sadd.s32 s3, s5;
	[dreg:$0x0] =	wrdreg $0x0  }
0xa8: {  	s5 =	sshll.u32 s28, $0x1;
	[dreg:$0x2] =	wrdreg s3  }
0xa9: {  	[dreg:$0x3] =	wrdreg s5  }
0xaa: {  	[dreg:$0x4] =	wrdreg $0xC0  }
0xab: {  	_ =	task [dreg:s7], $0x5FFFF  }
0xac: {  	[dreg:$0x1] =	wrdreg $0xFFFFFFFF  }
0xad: {  	[dreg:$0x0] =	wrdreg $0x60  }
0xae: {  	[dreg:$0x2] =	wrdreg s24  }
0xaf: {  	[dreg:$0x3] =	wrdreg s2  }
0xb0: {  	[dreg:$0x4] =	wrdreg $0x0  }
0xb1: {  	[dreg:$0x5] =	wrdreg $0x140000  }
0xb2: {  	[dreg:$0x6] =	wrdreg $0x9  }
0xb3: {  	_ =	task.clear_ibuf [dreg:s7], $0x7FFFF;
	_ =	strace $0x90000049  }
0xb4: {  	s29 =	simm.s32 $0x9;
	_ =	strace $0x8000004B  }
0xb5: {  	_ =	swait.ge [sflag:s29], $0x1  }
0xb6: {  	[sflag:s29] =	ssyncadd.s32 $0xFFFFFFFF  }
0xb7: {  	_ =	strace $0x9000004B  }
0xb8: {  	_ =	sfence  }
0xb9: {  	s30 =	sld [smem:$0x0];
	_ =	sdelay $0x2  }
0xba: {  	s31 =	sshll.u32 s1, $0xD;
	s1 =	sshrl.u32 s1, $0x2  }
0xbb: {  	s3 =	sand.u32 $0x4000, s31;
	s1 =	sadd.s32 s1, s30  }
0xbc: {  	s0 =	sor.u32 s3, s0;
	s1 =	sshll.u32 s1, $0x11  }
0xbd: {  	s0 =	sor.u32 s1, s0  }
0xbe: {  	s0 =	sadd.s32 $0x8F2B, s0  }
0xbf: {  	[sflag:s0] =	ssyncadd.remote.s32 $0x1  }
0xc0: {  	_ =	sfence.sel $0xFFFF  }
0xc1: {  	[dreg:$0x0] =	wrdreg $0xFFFFFFFF;
	(pc) =	sbr.abs _section_cstart, $3  }
0xc2: {  	[dreg:$0x1] =	wrdreg $0xFFFFFFFF  }
0xc3: {  	_ =	task.clear_ibuf [dreg:s7], $0x2FFFF;
	_ =	strace $0x9FFFFFFF  }
0xc4: {  	(tm) =	ssettm $0x7FFFFFFF  }
0xc5: {  	_ =	shalt  }
tec
execute0_lowered:
.L_overlay_start_1:
0x0: {  	(tag) =	ssettag $0x1  }
0x1: {  	s25 =	stileid.u32  }
0x2: {  	s2 =	smul.u32 $0x4F00, s25  }
0x3: {  	s6 =	smul.u32 $0x280, s25  }
0x4: {  	s0 =	srdreg.scid;
	s3 =	smul.u32 $0x14000, s25  }
0x5: {  	s8 =	rddreg [dreg:$0x1];
	s4 =	sand.u32 $0x1, s0;
	s12 =	smul.u32 $0x2800, s25  }
0x6: {  	s1 =	simm.s32 $0x0;
	s0 =	rddreg [dreg:$0x0];
	s5 =	smul.u32 $0x2780, s4  }
0x7: {  	[smem:$0x7FF] =	sst s1;
	s7 =	smul.u32 $0x140000, s4  }
0x8: {  	p0 =	sne.s32 s25, $0x0;
	s9 =	ssub.s32 $0x2, s4;
	s11 =	smul.u32 $0x28000, s4  }
0x9: {  	s10 =	sadd.s32 $0x65400, s0;
	s4 =	smul.u32 $0x27800, s4;
	s24 =	sshrl.u32 s9, $0x1  }
0xa: {  	s14 =	sadd.s32 $0x80, s6;
	s17 =	sadd.s32 $0x100, s6;
	s5 =	sadd.s32 s5, s2  }
0xb: {  	s2 =	ssub.s32 s9, s24;
	s26 =	sadd.s32 s3, s7;
	s13 =	sadd.s32 s12, s11  }
0xc: {  	s18 =	sshll.u32 s14, $0x7;
	s19 =	sshll.u32 s14, $0x4;
	s20 =	sshll.u32 s17, $0x7  }
0xd: {  	s24 =	sadd.s32 $0x180, s6;
	s6 =	sadd.s32 $0x200, s6;
	s9 =	sshrl.u32 s26, $0x3  }
0xe: {  	s13 =	sshrl.u32 s13, $0x3;
	s15 =	sadd.s32 s7, s18;
	s16 =	sadd.s32 s11, s19  }
0xf: {  	s23 =	sadd.s32 s7, s20;
	s21 =	sshll.u32 s24, $0x7;
	s24 =	sshll.u32 s24, $0x4  }
0x10: {  	s5 =	sshrl.u32 s5, $0x3;
	s9 =	sadd.s32 s10, s9;
	s22 =	sshrl.u32 s16, $0x3  }
0x11: {  	s26 =	sadd.s32 s7, s21;
	[dreg:$0x5] =	wrdreg s9;
	s9 =	sadd.s32 s8, s13  }
0x12: {  	s14 =	sadd.s32 s11, s24;
	s5 =	sadd.s32 s5, s0;
	[dreg:$0x6] =	wrdreg s9  }
0x13: {  	s9 =	sshrl.u32 s15, $0x3;
	s15 =	sshrl.u32 s14, $0x3;
	s14 =	rddreg [dreg:$0x3]  }
0x14: {  	s9 =	sadd.s32 s10, s9;
	s16 =	sadd.s32 s8, s15;
	s15 =	smul.u32 $0x4F000, s25  }
0x15: {  	s29 =	sadd.s32 s24, s14;
	[dreg:$0x7] =	wrdreg s9;
	s9 =	sadd.s32 s8, s22  }
0x16: {  	s22 =	sshll.u32 s6, $0x7;
	s6 =	sshll.u32 s6, $0x4;
	[dreg:$0xd] =	wrdreg s16  }
0x17: {  	s16 =	sadd.s32 $0x60400, s0;
	s29 =	sshrl.u32 s29, $0x3;
	[dreg:$0x8] =	wrdreg s9  }
0x18: {  	s9 =	sshrl.u32 s23, $0x3;
	s23 =	sshll.u32 s17, $0x4;
	s7 =	sadd.s32 s7, s22  }
0x19: {  	s17 =	sadd.s32 s11, s6;
	s6 =	sadd.s32 s6, s14;
	s9 =	sadd.s32 s10, s9  }
0x1a: {  	s7 =	sshrl.u32 s7, $0x3;
	s13 =	sadd.s32 s11, s23;
	s11 =	rddreg [dreg:$0x2]  }
0x1b: {  	s31 =	sshrl.u32 s6, $0x3;
	[dreg:$0x9] =	wrdreg s9;
	s9 =	sshrl.u32 s26, $0x3  }
0x1c: {  	s7 =	sadd.s32 s10, s7;
	s26 =	sadd.s32 s15, s0;
	s15 =	sadd.s32 $0x2D800, s0  }
0x1d: {  	s3 =	sadd.s32 s3, s11;
	s28 =	sadd.s32 s21, s11;
	s30 =	sadd.s32 s22, s11  }
0x1e: {  	s9 =	sadd.s32 s10, s9;
	[dreg:$0xb] =	wrdreg s7;
	s7 =	sshrl.u32 s13, $0x3  }
0x1f: {  	s4 =	sadd.s32 s4, s26;
	s10 =	sadd.s32 s20, s11;
	s26 =	sadd.s32 s23, s14  }
0x20: {  	s20 =	sadd.s32 $0x56600, s5;
	s21 =	sshrl.u32 s3, $0x3;
	s28 =	sshrl.u32 s28, $0x3  }
0x21: {  	s30 =	sshrl.u32 s30, $0x3;
	s3 =	simm.s32 $0x16880;
	s5 =	simm.s32 $0x0  }
0x22: {  	[dreg:$0xa] =	wrdreg s9;
	s7 =	sadd.s32 s8, s7;
	s9 =	sadd.s32 s19, s14  }
0x23: {  	s19 =	sadd.s32 $0x1502400, s4;
	s25 =	sshrl.u32 s10, $0x3;
	s26 =	sshrl.u32 s26, $0x3  }
0x24: {  	s4 =	simm.s32 $0x80;
	[dreg:$0xc] =	wrdreg s7;
	s7 =	sshrl.u32 s17, $0x3  }
0x25: {  	s17 =	sadd.s32 $0x55800, s0;
	s24 =	sshrl.u32 s9, $0x3;
	s0 =	simm.s32 $0x1  }
0x26: {  	s13 =	sadd.s32 s8, s7;
	_ =	strace $0x8000004A;
	s7 =	sadd.s32 s12, s14  }
0x27: {  	s8 =	sadd.s32 s18, s11;
	s18 =	smax.u32 s2, $0x1;
	s12 =	simm.s32 $0x1A880  }
0x28: {  	s2 =	simm.s32 $0x16800;
	s22 =	sshrl.u32 s7, $0x3;
	s23 =	sshrl.u32 s8, $0x3  }
.LBB2_1:
0x29: {  	s6 =	sshrl.u32 @!p0 s11, $0x3;
	s7 =	simm.s32 @!p0 $0x1C01  }
0x2a: {  	[spmem:s6], [sflag:s7] =	dma.local @!p0 [hbm:s15], $0x28000  }
0x2b: {  	s6 =	simm.s32 @!p0 $0x1  }
0x2c: {  	_ =	swait.ge @!p0 [sflag:s6], $0x28000  }
0x2d: {  	[sflag:s6] =	ssyncset.done @!p0 $0x0  }
0x2e: {  	s8 =	sshrl.u32 @!p0 s14, $0x3;
	[sflag:s6] =	ssyncadd.s32 @!p0 $0xFFFD8000  }
0x2f: {  	[spmem:s8], [sflag:s7] =	dma.local @!p0 [hbm:s16], $0x5000  }
0x30: {  	_ =	swait.ge @!p0 [sflag:s6], $0x5000  }
0x31: {  	[sflag:s6] =	ssyncset.done @!p0 $0x0  }
0x32: {  	[sflag:s6] =	ssyncadd.s32 @!p0 $0xFFFFB000  }
0x33: {  	[tilespmem:s12], [sflag:$0x1] =	stream.linear.gather [hbm4b:s17+s1], $0x800, $0x38;
	[tilespmem:$0x1B080] =	vst v63  }
0x34: {  	_ =	swait.ge [sflag:s0], $0x800  }
0x35: {  	[sflag:s0] =	ssyncset.done $0x0  }
0x36: {  	[sflag:s0] =	ssyncadd.s32 $0xFFFFF800  }
0x37: {  	s10 =	sadd.s32 $0x0, s20;
	[bflag:$0x0] =	sbarrier.arrive $0xFFFF  }
0x38: {  	[tilespmem:s2], [sflag:$0x1] =	stream.linear.gather [hbm4b:s10+s1], $0x80, $0x38;
	[tilespmem:$0x1B080] =	vst v63  }
0x39: {  	_ =	swait.ge [sflag:s0], $0x80  }
0x3a: {  	[sflag:s0] =	ssyncset.done $0x0  }
0x3b: {  	[sflag:s0] =	ssyncadd.s32 $0xFFFFFF80  }
0x3c: {  	[tilespmem:s3], [sflag:$0x1] =	stream.linear.gather [hbm4b:s19+s1], $0x4000, $0x38;
	[tilespmem:$0x1B080] =	vst v63  }
0x3d: {  	_ =	swait.ge [sflag:s0], $0x4000  }
0x3e: {  	[sflag:s0] =	ssyncset.done $0x0  }
0x3f: {  	[sflag:s0] =	ssyncadd.s32 $0xFFFFC000  }
0x40: {  	[spmem:s11] =	stream.indirect.scatter.add.f32 [tilespmem:s3], [sflag:$0x1], $0x80, s2, s4, $0xb8;
	[tilespmem:$0x1B080] =	vst v63  }
0x41: {  	_ =	swait.ge [sflag:s0], $0x4000  }
0x42: {  	[sflag:s0] =	ssyncset.done $0x0  }
0x43: {  	[sflag:s0] =	ssyncadd.s32 $0xFFFFC000  }
0x44: {  	[spmem:s14] =	stream.indirect.scatter.add.f32 [tilespmem:s12], [sflag:$0x1], $0x10, s2, s4, $0xb8;
	[tilespmem:$0x1B080] =	vst v63  }
0x45: {  	s7 =	simm.s32 $0x10;
	_ =	swait.ge [sflag:s0], $0x800  }
0x46: {  	s8 =	simm.s32 $0x20;
	s6 =	sadd.s32 $0x800, s19;
	[sflag:s0] =	ssyncset.done $0x0  }
.LBB2_2:
0x47: {  	s9 =	sadd.s32 s7, s20  }
0x48: {  	[sflag:s0] =	ssyncadd.s32 $0xFFFFF800;
	s7 =	smov.u32 s8;
	s10 =	sadd.s32 $0x10, s8  }
0x49: {  	[tilespmem:s2], [sflag:$0x1] =	stream.linear.gather [hbm4b:s9+s1], $0x80, $0x38;
	[tilespmem:$0x1B080] =	vst v63  }
0x4a: {  	p1 =	sne.s32 s8, $0x4E0;
	_ =	swait.ge [sflag:s0], $0x80  }
0x4b: {  	[sflag:s0] =	ssyncset.done $0x0  }
0x4c: {  	[sflag:s0] =	ssyncadd.s32 $0xFFFFFF80  }
0x4d: {  	[tilespmem:s3], [sflag:$0x1] =	stream.linear.gather [hbm4b:s6+s1], $0x4000, $0x38;
	[tilespmem:$0x1B080] =	vst v63  }
0x4e: {  	_ =	swait.ge [sflag:s0], $0x4000  }
0x4f: {  	[sflag:s0] =	ssyncset.done $0x0  }
0x50: {  	[sflag:s0] =	ssyncadd.s32 $0xFFFFC000  }
0x51: {  	[spmem:s11] =	stream.indirect.scatter.add.f32 [tilespmem:s3], [sflag:$0x1], $0x80, s2, s4, $0xb8;
	[tilespmem:$0x1B080] =	vst v63  }
0x52: {  	_ =	swait.ge [sflag:s0], $0x4000  }
.Ltmp0:
0x53: {  	[sflag:s0] =	ssyncset.done $0x0;
	(pc) =	sbr.rel @p1 .LBB2_2-.Ltmp0, $4  }
0x54: {  	[sflag:s0] =	ssyncadd.s32 $0xFFFFC000  }
0x55: {  	[spmem:s14] =	stream.indirect.scatter.add.f32 [tilespmem:s12], [sflag:$0x1], $0x10, s2, s4, $0xb8;
	[tilespmem:$0x1B080] =	vst v63  }
0x56: {  	_ =	swait.ge [sflag:s0], $0x800  }
0x57: {  	s8 =	smov.u32 s10;
	s6 =	sadd.s32 $0x800, s6;
	[sflag:s0] =	ssyncset.done $0x0  }
0x58: {  	s7 =	sadd.s32 s7, s20;
	[sflag:s0] =	ssyncadd.s32 $0xFFFFF800  }
0x59: {  	[tilespmem:s2], [sflag:$0x1] =	stream.linear.gather [hbm4b:s7+s1], $0x80, $0x38;
	[tilespmem:$0x1B080] =	vst v63  }
0x5a: {  	_ =	swait.ge [sflag:s0], $0x80  }
0x5b: {  	[sflag:s0] =	ssyncset.done $0x0  }
0x5c: {  	[sflag:s0] =	ssyncadd.s32 $0xFFFFFF80  }
0x5d: {  	[tilespmem:s3], [sflag:$0x1] =	stream.linear.gather [hbm4b:s6+s1], $0x4000, $0x38;
	[tilespmem:$0x1B080] =	vst v63  }
0x5e: {  	_ =	swait.ge [sflag:s0], $0x4000  }
0x5f: {  	[sflag:s0] =	ssyncset.done $0x0  }
0x60: {  	[sflag:s0] =	ssyncadd.s32 $0xFFFFC000  }
0x61: {  	[spmem:s11] =	stream.indirect.scatter.add.f32 [tilespmem:s3], [sflag:$0x1], $0x80, s2, s4, $0xb8;
	[tilespmem:$0x1B080] =	vst v63  }
0x62: {  	_ =	swait.ge [sflag:s0], $0x4000  }
0x63: {  	[sflag:s0] =	ssyncset.done $0x0  }
0x64: {  	[sflag:s0] =	ssyncadd.s32 $0xFFFFC000  }
0x65: {  	[spmem:s14] =	stream.indirect.scatter.add.f32 [tilespmem:s12], [sflag:$0x1], $0x10, s2, s4, $0xb8;
	[tilespmem:$0x1B080] =	vst v63  }
0x66: {  	_ =	swait.ge [sflag:s0], $0x800  }
0x67: {  	[sflag:s0] =	ssyncset.done $0x0  }
0x68: {  	s7 =	stileid.u32;
	[sflag:s0] =	ssyncadd.s32 $0xFFFFF800  }
0x69: {  	s6 =	sshll.u32 s7, $0x6;
	[bflag:$0x0] =	sbarrier.arrive $0xFFFF  }
0x6a: {  	s6 =	sor.u32 $0x1C01, s6;
	s8 =	rddreg [dreg:$0x5]  }
0x6b: {  	[hbm:s8], [sflag:s6] =	dma.local [spmem:s21], $0x800  }
0x6c: {  	_ =	swait.ge [sflag:s0], $0x800  }
0x6d: {  	[sflag:s0] =	ssyncset.done $0x0  }
0x6e: {  	s9 =	rddreg [dreg:$0x6];
	[sflag:s0] =	ssyncadd.s32 $0xFFFFF800  }
0x6f: {  	[hbm:s9], [sflag:s6] =	dma.local [spmem:s22], $0x100  }
0x70: {  	_ =	swait.ge [sflag:s0], $0x100  }
0x71: {  	[sflag:s0] =	ssyncset.done $0x0  }
0x72: {  	s10 =	rddreg [dreg:$0x7];
	[sflag:s0] =	ssyncadd.s32 $0xFFFFFF00  }
0x73: {  	[hbm:s10], [sflag:s6] =	dma.local [spmem:s23], $0x800  }
0x74: {  	_ =	swait.ge [sflag:s0], $0x800  }
0x75: {  	[sflag:s0] =	ssyncset.done $0x0  }
0x76: {  	s8 =	rddreg [dreg:$0x8];
	[sflag:s0] =	ssyncadd.s32 $0xFFFFF800  }
0x77: {  	[hbm:s8], [sflag:s6] =	dma.local [spmem:s24], $0x100  }
0x78: {  	_ =	swait.ge [sflag:s0], $0x100  }
0x79: {  	[sflag:s0] =	ssyncset.done $0x0  }
0x7a: {  	s9 =	rddreg [dreg:$0x9];
	[sflag:s0] =	ssyncadd.s32 $0xFFFFFF00  }
0x7b: {  	[hbm:s9], [sflag:s6] =	dma.local [spmem:s25], $0x800  }
0x7c: {  	_ =	swait.ge [sflag:s0], $0x800  }
0x7d: {  	[sflag:s0] =	ssyncset.done $0x0  }
0x7e: {  	s10 =	rddreg [dreg:$0xc];
	[sflag:s0] =	ssyncadd.s32 $0xFFFFF800  }
0x7f: {  	[hbm:s10], [sflag:s6] =	dma.local [spmem:s26], $0x100  }
0x80: {  	_ =	swait.ge [sflag:s0], $0x100  }
0x81: {  	[sflag:s0] =	ssyncset.done $0x0  }
0x82: {  	s8 =	rddreg [dreg:$0xa];
	[sflag:s0] =	ssyncadd.s32 $0xFFFFFF00  }
0x83: {  	[hbm:s8], [sflag:s6] =	dma.local [spmem:s28], $0x800  }
0x84: {  	_ =	swait.ge [sflag:s0], $0x800  }
0x85: {  	[sflag:s0] =	ssyncset.done $0x0  }
0x86: {  	s9 =	rddreg [dreg:$0xd];
	[sflag:s0] =	ssyncadd.s32 $0xFFFFF800  }
0x87: {  	[hbm:s9], [sflag:s6] =	dma.local [spmem:s29], $0x100  }
0x88: {  	_ =	swait.ge [sflag:s0], $0x100  }
0x89: {  	[sflag:s0] =	ssyncset.done $0x0  }
0x8a: {  	s10 =	rddreg [dreg:$0xb];
	[sflag:s0] =	ssyncadd.s32 $0xFFFFFF00  }
0x8b: {  	[hbm:s10], [sflag:s6] =	dma.local [spmem:s30], $0x800  }
0x8c: {  	s5 =	sadd.s32 $0x1, s5;
	_ =	swait.ge [sflag:s0], $0x800  }
0x8d: {  	p1 =	sne.s32 s5, s18;
	[sflag:s0] =	ssyncset.done $0x0  }
.Ltmp1:
0x8e: {  	[sflag:s0] =	ssyncadd.s32 $0xFFFFF800;
	(pc) =	sbr.rel @p1 .LBB2_1-.Ltmp1, $4  }
0x8f: {  	[hbm:s13], [sflag:s6] =	dma.local [spmem:s31], $0x100  }
0x90: {  	_ =	swait.ge [sflag:s0], $0x100  }
0x91: {  	[sflag:s0] =	ssyncset.done $0x0  }
0x92: {  	[sflag:s0] =	ssyncadd.s32 $0xFFFFFF00  }
0x93: {  	_ =	sfence.sel $0x180000  }
0x94: {  	[bflag:$0x0] =	sbarrier.arrive $0xFFFF  }
0x95: {  	_ =	strace $0x9000004A  }
0x96: {  	[bflag:$0x2] =	sbarrier.arrive $0xFFFF  }
0x97: {  	s0 =	rddreg [dreg:$0x4]  }
0x98: {  	s0 =	sadd.s32 @!p0 $0x100000, s0  }
0x99: {  	[sflag:s0] =	ssyncadd.tile.s32 @!p0 $0x1;
	_ =	shalt  }
.Lfunc_end2:
_tile_overlayer_lowered:
.L_overlay_start_2:
0x9a: {  	(tag) =	ssettag $0x2  }
0x9b: {  	s0 =	rddreg [dreg:$0x0];
	s2 =	stileid.u32  }
0x9c: {  	s1 =	rddreg [dreg:$0x1];
	p0 =	sne.s32 s2, $0x0  }
0x9d: {  	s3 =	rddreg [dreg:$0x2];
	[bflag:$0x3] =	sbarrier.arrive $0xFFFF;
	s2 =	simm.s32 @!p0 $0x1C01  }
0x9e: {  	[timem:s3], [sflag:s2] =	dma.local @!p0 [hbm:s0], s1  }
0x9f: {  	s0 =	simm.s32 @!p0 $0x1  }
0xa0: {  	_ =	swait.ge @!p0 [sflag:s0], s1  }
0xa1: {  	s1 =	ssub.s32 @!p0 $0x0, s1;
	[sflag:s0] =	ssyncset.done @!p0 $0x0  }
0xa2: {  	[sflag:s0] =	ssyncadd.s32 @!p0 s1  }
0xa3: {  	[bflag:$0x3] =	sbarrier.arrive $0xFFFF  }
0xa4: {  	_ =	shalt  }

// kernel: kernel.7.cloned.1.call-start
scs
__scs_entry_jumppad:
0x0: {  	(pc) =	sbr.rel $0x88, $3  }
0x1: {  	(tag) =	ssettag $0x0;
	lr =	simm.s32 $0x1  }
0x2: {  	[smem:$0x3F8F] =	sst lr;
	_ =	strace $0xD0000000  }
0x3: {  	_ = 	snop  }
0x4: {  	_ = 	snop  }
0x5: {  	_ = 	snop  }
0x6: {  	_ = 	snop  }
0x7: {  	_ = 	snop  }
__scs_overlays_trampoline_lowered:
0x8: {  	[smem:$0x3F9E] =	sst s0  }
0x9: {  	[smem:$0x3F9F] =	sst s1  }
0xa: {  	[smem:$0x3FA0] =	sst s2  }
0xb: {  	[smem:$0x3FA1] =	sst s3  }
0xc: {  	[smem:$0x3FA2] =	sst s4  }
0xd: {  	[smem:$0x3FA3] =	sst s5  }
0xe: {  	[smem:$0x3FA4] =	sst s6  }
0xf: {  	[smem:$0x3FA5] =	sst s7  }
0x10: {  	[smem:$0x3FA6] =	sst s8  }
0x11: {  	[smem:$0x3FA7] =	sst s9;
	s0 =	simm.s32 @!p0 $0x0  }
0x12: {  	s1 =	sld [smem:$0x3F8D];
	s0 =	simm.s32 @p0 $0x1  }
0x13: {  	[smem:$0x3FA8] =	sst s0;
	s0 =	simm.s32 @!p1 $0x0  }
0x14: {  	s2 =	sld [smem:$0x3F8C];
	s0 =	simm.s32 @p1 $0x1  }
0x15: {  	[smem:$0x3FA9] =	sst s0;
	s0 =	simm.s32 @!p2 $0x0  }
0x16: {  	s3 =	sld [smem:$0x3FDB];
	s0 =	simm.s32 @p2 $0x1  }
0x17: {  	s4 =	simm.s32 $0x1BF5;
	[smem:$0x3FAB] =	sst s0  }
0x18: {  	s0 =	sld [smem:$0x3F8E];
	_ =	swait.ge [sflag:s4], $0x0  }
0x19: {  	s7 =	sld [smem:$0x3F8F]  }
0x1a: {  	s8 =	sadd.s32 $0xFFFFE003, lr  }
0x1b: {  	s9 =	sadd.s32 $0xFFFFFEF7, lr;
	s5 =	simm.s32 $0xFFFFFFFF;
	p2 =	slt.u32 s8, $0xFFFFF086  }
0x1c: {  	p1 =	slt.u32 s9, $0xF7A;
	s5 =	simm.s32 @!p2 $0x0  }
0x1d: {  	s5 =	simm.s32 @p1 $0x1;
	p0 =	seq.s32 s7, s2  }
0x1e: {  	s7 =	smul.u32 @!p0 $0xF7A, s2;
	p2 =	seq.s32 @!p0 s5, $0x0  }
0x1f: {  	s9 =	smul.u32 $0xF7A, s1;
	s8 =	simm.s32 @!p0 $0x1BF5;
	p2 =	por !p2, p0  }
0x20: {  	[sflag:s8] =	ssyncset.s32 @!p0 $0xFFFFF086;
	s6 =	sadd.s32 @!p0 s3, s7;
	s7 =	simm.s32 @!p0 $0x108  }
0x21: {  	s3 =	sadd.s32 s3, s9;
	s6 =	sadd.s32 @!p0 $0x88, s6;
	s7 =	simm.s32 @p2 $0x1082  }
0x22: {  	[simem:s7], [sflag:s8] =	dma.local @!p0 [hbm:s6], $0xF7A  }
0x23: {  	s9 =	sor.u32 $0xD0000000, s2;
	s6 =	simm.s32 $0x108;
	_ =	swait.ge @!p0 [sflag:s8], $0x0  }
0x24: {  	s3 =	sadd.s32 $0x88, s3;
	s6 =	simm.s32 @!p1 $0x1082;
	[sflag:s4] =	ssyncset.s32 $0xFFFFF086  }
0x25: {  	[simem:s6], [sflag:s4] =	dma.local [hbm:s3], $0xF7A  }
0x26: {  	[smem:$0x3F8F] =	sst s1;
	(tag) =	ssettag s2;
	_ =	strace s9  }
0x27: {  	s1 =	sld [smem:$0x3F9F]  }
0x28: {  	s2 =	sld [smem:$0x3FA0]  }
0x29: {  	s4 =	sld [smem:$0x3FA2]  }
0x2a: {  	p0 =	seq.s32 s5, $0x0;
	s5 =	sld [smem:$0x3FA3]  }
0x2b: {  	s6 =	sld [smem:$0x3FA4]  }
0x2c: {  	s7 =	sld [smem:$0x3FA5]  }
0x2d: {  	s3 =	simm.s32 $0x108;
	s8 =	sld [smem:$0x3FA6]  }
0x2e: {  	s3 =	simm.s32 @!p0 $0x1082;
	s9 =	sld [smem:$0x3FA7]  }
0x2f: {  	lr =	sadd.s32 s0, s3;
	s0 =	sld [smem:$0x3F9E]  }
0x30: {  	s3 =	sld [smem:$0x3FA1]  }
0x31: {  	[smem:$0x3FAA] =	sst s10  }
0x32: {  	s10 =	sld [smem:$0x3FA8];
	_ =	sdelay $0x3  }
0x33: {  	p0 =	seq.s32 s10, $0x1;
	s10 =	sld [smem:$0x3FAA];
	_ =	sdelay $0x3  }
0x34: {  	[smem:$0x3FAA] =	sst s10  }
0x35: {  	s10 =	sld [smem:$0x3FA9];
	_ =	sdelay $0x3  }
0x36: {  	p1 =	seq.s32 s10, $0x1;
	s10 =	sld [smem:$0x3FAA];
	_ =	sdelay $0x3  }
0x37: {  	[smem:$0x3FAA] =	sst s10  }
0x38: {  	s10 =	sld [smem:$0x3FAB]  }
0x39: {  	_ = 	snop;
	(pc) =	sbr.ind lr, $3  }
0x3a: {  	_ = 	snop  }
0x3b: {  	_ = 	snop  }
0x3c: {  	p2 =	seq.s32 s10, $0x1;
	s10 =	sld [smem:$0x3FAA]  }
0x3d: {  	_ =	shalt  }
0x3e: {  	_ =	shalt  }
0x3f: {  	_ =	shalt  }
0x40: {  	_ =	shalt  }
0x41: {  	_ =	shalt  }
0x42: {  	_ =	shalt  }
0x43: {  	_ =	shalt  }
0x44: {  	_ =	shalt  }
0x45: {  	_ =	shalt  }
0x46: {  	_ =	shalt  }
0x47: {  	_ =	shalt  }
0x48: {  	_ =	shalt  }
0x49: {  	_ =	shalt  }
0x4a: {  	_ =	shalt  }
0x4b: {  	_ =	shalt  }
0x4c: {  	_ =	shalt  }
0x4d: {  	_ =	shalt  }
0x4e: {  	_ =	shalt  }
0x4f: {  	_ =	shalt  }
0x50: {  	_ =	shalt  }
0x51: {  	_ =	shalt  }
0x52: {  	_ =	shalt  }
0x53: {  	_ =	shalt  }
0x54: {  	_ =	shalt  }
0x55: {  	_ =	shalt  }
0x56: {  	_ =	shalt  }
0x57: {  	_ =	shalt  }
0x58: {  	_ =	shalt  }
0x59: {  	_ =	shalt  }
0x5a: {  	_ =	shalt  }
0x5b: {  	_ =	shalt  }
0x5c: {  	_ =	shalt  }
0x5d: {  	_ =	shalt  }
0x5e: {  	_ =	shalt  }
0x5f: {  	_ =	shalt  }
0x60: {  	_ =	shalt  }
0x61: {  	_ =	shalt  }
0x62: {  	_ =	shalt  }
0x63: {  	_ =	shalt  }
0x64: {  	_ =	shalt  }
0x65: {  	_ =	shalt  }
0x66: {  	_ =	shalt  }
0x67: {  	_ =	shalt  }
0x68: {  	_ =	shalt  }
0x69: {  	_ =	shalt  }
0x6a: {  	_ =	shalt  }
0x6b: {  	_ =	shalt  }
0x6c: {  	_ =	shalt  }
0x6d: {  	_ =	shalt  }
0x6e: {  	_ =	shalt  }
0x6f: {  	_ =	shalt  }
0x70: {  	_ =	shalt  }
0x71: {  	_ =	shalt  }
0x72: {  	_ =	shalt  }
0x73: {  	_ =	shalt  }
0x74: {  	_ =	shalt  }
0x75: {  	_ =	shalt  }
0x76: {  	_ =	shalt  }
0x77: {  	_ =	shalt  }
0x78: {  	_ =	shalt  }
0x79: {  	_ =	shalt  }
0x7a: {  	_ =	shalt  }
0x7b: {  	_ =	shalt  }
0x7c: {  	_ =	shalt  }
0x7d: {  	_ =	shalt  }
0x7e: {  	_ =	shalt  }
0x7f: {  	_ =	shalt  }
0x80: {  	_ =	shalt  }
0x81: {  	_ =	shalt  }
0x82: {  	_ =	shalt  }
0x83: {  	_ =	shalt  }
0x84: {  	_ =	shalt  }
0x85: {  	_ =	shalt  }
0x86: {  	_ =	shalt  }
0x87: {  	_ =	shalt  }
.Lfunc_end0:
.L_simem_size_0:
called_computation_lowered:
.L_overlay_start_0:
0x88: {  	s2 =	sld [smem:$0x3FD9]  }
0x89: {  	s3 =	sld [smem:$0x3FFE];
	_ =	sdelay $0x1  }
0x8a: {  	s1 =	srdreg.scid  }
0x8b: {  	s0 =	sand.u32 $0x1, s1  }
0x8c: {  	s17 =	sshll.u32 s0, $0xA;
	s2 =	sadd.s32 s3, s2  }
0x8d: {  	s2 =	sadd.s32 s2, s17  }
0x8e: {  	[smem:$0x3FB6] =	sst s2  }
0x8f: {  	_ = 	snop  }
0x90: {  	s2 =	sld [smem:$0x3FD0];
	(tm) =	ssettm $0x1  }
0x91: {  	s18 =	sld [smem:$0x3FFB];
	_ =	sdelay $0x3  }
0x92: {  	_ =	strace s18  }
0x93: {  	s3 =	sld [smem:$0x3FFC];
	_ =	sdelay $0x3  }
0x94: {  	_ =	strace s3  }
0x95: {  	s3 =	sld [smem:$0x3FFD];
	_ =	sdelay $0x3  }
0x96: {  	_ =	strace s3  }
0x97: {  	_ =	strace $0x8FFFFFFF  }
0x98: {  	s19 =	sld [smem:$0x3FDB];
	_ =	sdelay $0x1  }
0x99: {  	s4 =	simm.s32 $_scs_section_size  }
0x9a: {  	s5 =	simm.s32 $_size__tile_overlayer_lowered;
	s6 =	simm.s32 $_tile_overlayer_lowered  }
0x9b: {  	s22 =	simm.s32 $0x1BFF;
	s21 =	sshll.u32 s6, $0x1;
	s3 =	sadd.s32 s4, s19  }
0x9c: {  	s7 =	simm.s32 $0x0;
	s20 =	sshll.u32 s5, $0x1;
	s5 =	sadd.s32 s21, s3  }
0x9d: {  	[timem:s7], [sflag:s22] =	dma.local [hbm:s5], s20  }
0x9e: {  	_ =	swait.ge [sflag:s22], s20  }
0x9f: {  	s4 =	ssub.s32 $0x0, s20;
	[sflag:s22] =	ssyncset.done $0x0  }
0xa0: {  	[sflag:s22] =	ssyncadd.s32 s4;
	_ =	sdelay $0x1  }
0xa1: {  	s23 =	simm.s32 $0x1B8B  }
0xa2: {  	_ =	swait.ge [sflag:s23], $0x1  }
0xa3: {  	[sflag:s23] =	ssyncset.done $0x0  }
0xa4: {  	s25 =	simm.s32 $0x1B8E;
	s24 =	sld [smem:$0x3FFE];
	[sflag:s23] =	ssyncadd.s32 $0xFFFFFFFF  }
0xa5: {  	s26 =	simm.s32 $execute0_lowered;
	[smem:$0x3FD2] =	sst s25  }
0xa6: {  	s5 =	sshll.u32 s26, $0x1;
	_ =	strace $0x80000046;
	[dreg:$0x1] =	wrdreg $0xFFFFFFFF  }
0xa7: {  	s28 =	simm.s32 $_size_execute0_lowered;
	s3 =	sadd.s32 s3, s5;
	[dreg:$0x0] =	wrdreg $0x0  }
0xa8: {  	s5 =	sshll.u32 s28, $0x1;
	[dreg:$0x2] =	wrdreg s3  }
0xa9: {  	[dreg:$0x3] =	wrdreg s5  }
0xaa: {  	[dreg:$0x4] =	wrdreg $0xC0  }
0xab: {  	_ =	task [dreg:s7], $0x5FFFF  }
0xac: {  	[dreg:$0x1] =	wrdreg $0xFFFFFFFF  }
0xad: {  	[dreg:$0x0] =	wrdreg $0x60  }
0xae: {  	[dreg:$0x2] =	wrdreg s24  }
0xaf: {  	[dreg:$0x3] =	wrdreg s2  }
0xb0: {  	[dreg:$0x4] =	wrdreg $0x9  }
0xb1: {  	_ =	task.clear_ibuf [dreg:s7], $0x5FFFF;
	_ =	strace $0x90000046  }
0xb2: {  	s29 =	simm.s32 $0x9;
	_ =	strace $0x80000048  }
0xb3: {  	_ =	swait.ge [sflag:s29], $0x1  }
0xb4: {  	[sflag:s29] =	ssyncadd.s32 $0xFFFFFFFF  }
0xb5: {  	_ =	strace $0x90000048  }
0xb6: {  	_ =	sfence  }
0xb7: {  	s30 =	sld [smem:$0x0];
	_ =	sdelay $0x2  }
0xb8: {  	s31 =	sshll.u32 s1, $0xD;
	s1 =	sshrl.u32 s1, $0x2  }
0xb9: {  	s3 =	sand.u32 $0x4000, s31;
	s1 =	sadd.s32 s1, s30  }
0xba: {  	s0 =	sor.u32 s3, s0;
	s1 =	sshll.u32 s1, $0x11  }
0xbb: {  	s0 =	sor.u32 s1, s0  }
0xbc: {  	s0 =	sadd.s32 $0x8F2B, s0  }
0xbd: {  	[sflag:s0] =	ssyncadd.remote.s32 $0x1  }
0xbe: {  	_ =	sfence.sel $0xFFFF  }
0xbf: {  	[dreg:$0x0] =	wrdreg $0xFFFFFFFF;
	(pc) =	sbr.abs _section_cstart, $3  }
0xc0: {  	[dreg:$0x1] =	wrdreg $0xFFFFFFFF  }
0xc1: {  	_ =	task.clear_ibuf [dreg:s7], $0x2FFFF;
	_ =	strace $0x9FFFFFFF  }
0xc2: {  	(tm) =	ssettm $0x7FFFFFFF  }
0xc3: {  	_ =	shalt  }
tec
execute0_lowered:
.L_overlay_start_1:
0x0: {  	(tag) =	ssettag $0x1  }
0x1: {  	s0 =	rddreg [dreg:$0x0]  }
0x2: {  	s6 =	rddreg [dreg:$0x1];
	s12 =	stileid.u32  }
0x3: {  	s2 =	simm.s32 $0x0;
	s1 =	srdreg.scid;
	s13 =	simm.s32 $0x42  }
0x4: {  	s14 =	simm.s32 $0x3;
	s15 =	simm.s32 $0x80;
	s16 =	simm.s32 $0x180  }
0x5: {  	s17 =	simm.s32 $0x4180;
	s18 =	simm.s32 $0x1;
	s19 =	simm.s32 $0x2  }
0x6: {  	s20 =	simm.s32 $0x100;
	s21 =	simm.s32 $0x8180;
	s3 =	smul.u32 $0x5C, s12  }
0x7: {  	s22 =	simm.s32 $0x8980;
	s28 =	simm.s32 $0xB180;
	s4 =	smul.u32 $0x42, s12  }
0x8: {  	s29 =	simm.s32 $0xB980;
	s30 =	simm.s32 $0x0;
	s8 =	smul.u32 $0x280, s12  }
0x9: {  	[smem:$0x7FF] =	sst s2;
	s1 =	sand.u32 $0x1, s1;
	s23 =	smul.u32 $0x5000, s12  }
0xa: {  	s5 =	sadd.s32 $0x60400, s0;
	p0 =	seq.s32 s1, $0x0;
	s9 =	smul.u32 $0x140, s1  }
0xb: {  	_ =	strace $0x80000047;
	s24 =	ssub.s32 $0x2, s1;
	s26 =	smul.u32 $0x2800, s1  }
0xc: {  	s7 =	sadd.s32 $0x420, s3;
	s3 =	sadd.s32 $0xB0400, s0;
	s25 =	sshrl.u32 s24, $0x1  }
0xd: {  	s13 =	simm.s32 @!p0 $0x5C;
	s7 =	smov.u32 @p0 s4;
	s4 =	sadd.s32 $0x2D800, s0  }
0xe: {  	s8 =	sadd.s32 s9, s8;
	s9 =	sadd.s32 s23, s0;
	[dreg:$0x3] =	wrdreg s13  }
0xf: {  	s23 =	simm.s32 $0x9180;
	s10 =	sshll.u32 s7, $0x4;
	s8 =	sshrl.u32 s8, $0x3  }
0x10: {  	s7 =	sshll.u32 s7, $0xB;
	s31 =	sadd.s32 s26, s9;
	s26 =	simm.s32 $0xA980  }
0x11: {  	s11 =	sadd.s32 s10, s0;
	s8 =	sadd.s32 s8, s0;
	s7 =	sadd.s32 s7, s0  }
0x12: {  	s0 =	ssub.s32 s24, s25;
	s12 =	sadd.s32 s10, s6;
	s6 =	sadd.s32 $0xAE0400, s31  }
0x13: {  	v2 =	vlaneseq.u32;
	s24 =	simm.s32 $0x9980;
	s25 =	simm.s32 $0xA180;
	s0 =	smax.u32 s0, $0x1  }
0x14: {  	vm0 =	vmmov $0xffff;
	v1 =	vshrl.u32 v2, $0x3;
	s1 =	sadd.s32 $0x100400, s7;
	[dreg:$0x5] =	wrdreg s6;
	s13 =	sadd.s32 $0x55800, s8  }
0x15: {  	v0 =	vand.u32 $0x7, v2;
	v2 =	vor.u32 $0x8, v2;
	v1 =	vmul.u32 $0x8, v1;
	[dreg:$0x4] =	wrdreg s0;
	s0 =	sadd.s32 $0x5F0400, s7;
	s7 =	sadd.s32 $0x56600, s11  }
.LBB2_1:
0x16: {  	s6 =	rddreg [dreg:$0x3]  }
0x17: {  	p1 =	sne.s32 s6, $0x1  }
.Ltmp0:
0x18: {  	_ = 	snop;
	(pc) =	sbr.rel @!p1 .LBB2_5-.Ltmp0, $3  }
0x19: {  	_ =	sdelay $0x1  }
0x1a: {  	p0 =	por $0x0, $0x0;
	s8 =	smov.u32 s0;
	s11 =	smov.u32 s7  }
0x1b: {  	s10 =	smov.u32 s12;
	s9 =	smov.u32 s1;
	s6 =	sadd.s32 $0xFFFFFFFF, s6  }
0x1c: {  	s31 =	simm.s32 $0x0  }
0x1d: {  	[tilespmem:s31], [sflag:$0x3] =	stream.linear.gather [hbm4b:s7+s31], $0x80, $0x38;
	[tilespmem:$0xC180] =	vst v63  }
0x1e: {  	_ =	swait.ge [sflag:s14], $0x80  }
0x1f: {  	[sflag:s14] =	ssyncset.done $0x0  }
0x20: {  	[sflag:s14] =	ssyncadd.s32 $0xFFFFFF80  }
0x21: {  	[tilespmem:s15], [sflag:$0x3] =	stream.linear.gather [hbm4b:s12+s31], $0x80, $0x38;
	[tilespmem:$0xC180] =	vst v63  }
0x22: {  	_ =	swait.ge [sflag:s14], $0x80  }
0x23: {  	[sflag:s14] =	ssyncset.done $0x0  }
0x24: {  	[sflag:s14] =	ssyncadd.s32 $0xFFFFFF80  }
0x25: {  	[tilespmem:s16], [sflag:$0x1] =	stream.indirect.gather [hbm4b:s3+s15], $0x80, s31, s15, $0xb8;
	[tilespmem:$0xC180] =	vst v63  }
0x26: {  	_ = 	snop  }
0x27: {  	[tilespmem:s17], [sflag:$0x2] =	stream.indirect.gather [hbm4b:s4+s15], $0x80, s15, s15, $0xb8;
	[tilespmem:$0xC180] =	vst v63  }
0x28: {  	_ =	swait.ge [sflag:s18], $0x4000  }
0x29: {  	[sflag:s18] =	ssyncset.done $0x0  }
0x2a: {  	[sflag:s18] =	ssyncadd.s32 $0xFFFFC000  }
0x2b: {  	_ =	swait.ge [sflag:s19], $0x4000  }
0x2c: {  	[sflag:s19] =	ssyncset.done $0x0  }
0x2d: {  	[sflag:s19] =	ssyncadd.s32 $0xFFFFC000  }
0x2e: {  	[hbm4b:s1+s31] =	stream.linear.scatter [tilespmem:s16], [sflag:$0x3], $0x4000, $0x38;
	[tilespmem:$0xC180] =	vst v63  }
0x2f: {  	p1 =	sne.s32 s6, $0x1;
	_ =	swait.ge [sflag:s14], $0x4000  }
.Ltmp1:
0x30: {  	[sflag:s14] =	ssyncset.done $0x0;
	(pc) =	sbr.rel @!p1 .LBB2_3-.Ltmp1, $4  }
0x31: {  	s6 =	sadd.s32 $0xFFFFFFFF, s6;
	s11 =	sadd.s32 $0x10, s7;
	[sflag:s14] =	ssyncadd.s32 $0xFFFFC000  }
0x32: {  	[hbm4b:s0+s31] =	stream.linear.scatter [tilespmem:s17], [sflag:$0x3], $0x4000, $0x38;
	[tilespmem:$0xC180] =	vst v63  }
0x33: {  	s9 =	sadd.s32 $0x800, s1;
	s10 =	sadd.s32 $0x10, s12;
	_ =	swait.ge [sflag:s14], $0x4000  }
0x34: {  	p0 =	por $0x1, $0x1;
	s8 =	smov.u32 s0;
	[sflag:s14] =	ssyncset.done $0x0  }
.LBB2_4:
0x35: {  	[sflag:s14] =	ssyncadd.s32 $0xFFFFC000;
	s8 =	sadd.s32 $0x800, s8  }
0x36: {  	[tilespmem:s31], [sflag:$0x3] =	stream.linear.gather [hbm4b:s11+s31], $0x80, $0x38;
	[tilespmem:$0xC180] =	vst v63  }
0x37: {  	p1 =	sne.s32 s6, $0x1;
	s6 =	sadd.s32 $0xFFFFFFFF, s6;
	_ =	swait.ge [sflag:s14], $0x80  }
0x38: {  	[sflag:s14] =	ssyncset.done $0x0  }
0x39: {  	[sflag:s14] =	ssyncadd.s32 $0xFFFFFF80  }
0x3a: {  	[tilespmem:s15], [sflag:$0x3] =	stream.linear.gather [hbm4b:s10+s31], $0x80, $0x38;
	[tilespmem:$0xC180] =	vst v63  }
0x3b: {  	_ =	swait.ge [sflag:s14], $0x80  }
0x3c: {  	[sflag:s14] =	ssyncset.done $0x0  }
0x3d: {  	[sflag:s14] =	ssyncadd.s32 $0xFFFFFF80  }
0x3e: {  	[tilespmem:s16], [sflag:$0x1] =	stream.indirect.gather [hbm4b:s3+s15], $0x80, s31, s15, $0xb8;
	[tilespmem:$0xC180] =	vst v63  }
0x3f: {  	_ = 	snop  }
0x40: {  	[tilespmem:s17], [sflag:$0x2] =	stream.indirect.gather [hbm4b:s4+s15], $0x80, s15, s15, $0xb8;
	[tilespmem:$0xC180] =	vst v63  }
0x41: {  	_ =	swait.ge [sflag:s18], $0x4000  }
0x42: {  	[sflag:s18] =	ssyncset.done $0x0  }
0x43: {  	[sflag:s18] =	ssyncadd.s32 $0xFFFFC000  }
0x44: {  	_ =	swait.ge [sflag:s19], $0x4000  }
0x45: {  	[sflag:s19] =	ssyncset.done $0x0  }
0x46: {  	[sflag:s19] =	ssyncadd.s32 $0xFFFFC000  }
0x47: {  	[hbm4b:s9+s31] =	stream.linear.scatter [tilespmem:s16], [sflag:$0x3], $0x4000, $0x38;
	[tilespmem:$0xC180] =	vst v63  }
0x48: {  	_ =	swait.ge [sflag:s14], $0x4000  }
.Ltmp2:
0x49: {  	[sflag:s14] =	ssyncset.done $0x0;
	(pc) =	sbr.rel @p1 .LBB2_4-.Ltmp2, $4  }
0x4a: {  	[sflag:s14] =	ssyncadd.s32 $0xFFFFC000  }
0x4b: {  	[hbm4b:s8+s31] =	stream.linear.scatter [tilespmem:s17], [sflag:$0x3], $0x4000, $0x38;
	[tilespmem:$0xC180] =	vst v63  }
0x4c: {  	s11 =	sadd.s32 $0x10, s11;
	_ =	swait.ge [sflag:s14], $0x4000  }
0x4d: {  	s10 =	sadd.s32 $0x10, s10;
	s9 =	sadd.s32 $0x800, s9;
	[sflag:s14] =	ssyncset.done $0x0  }
.LBB2_5:
0x4e: {  	s31 =	simm.s32 $0x0;
	[sflag:s14] =	ssyncadd.s32 @p0 $0xFFFFC000  }
0x4f: {  	[tilespmem:s31], [sflag:$0x3] =	stream.linear.gather [hbm4b:s11+s31], $0x80, $0x38;
	[tilespmem:$0xC180] =	vst v63  }
0x50: {  	_ =	swait.ge [sflag:s14], $0x80  }
0x51: {  	[sflag:s14] =	ssyncset.done $0x0  }
0x52: {  	[sflag:s14] =	ssyncadd.s32 $0xFFFFFF80  }
0x53: {  	[tilespmem:s15], [sflag:$0x3] =	stream.linear.gather [hbm4b:s10+s31], $0x80, $0x38;
	[tilespmem:$0xC180] =	vst v63  }
0x54: {  	_ =	swait.ge [sflag:s14], $0x80  }
0x55: {  	[sflag:s14] =	ssyncset.done $0x0  }
0x56: {  	[sflag:s14] =	ssyncadd.s32 $0xFFFFFF80  }
0x57: {  	[tilespmem:s16], [sflag:$0x1] =	stream.indirect.gather [hbm4b:s3+s15], $0x80, s31, s15, $0xb8;
	[tilespmem:$0xC180] =	vst v63  }
0x58: {  	_ = 	snop  }
0x59: {  	[tilespmem:s17], [sflag:$0x2] =	stream.indirect.gather [hbm4b:s4+s15], $0x80, s15, s15, $0xb8;
	[tilespmem:$0xC180] =	vst v63  }
0x5a: {  	_ =	swait.ge [sflag:s18], $0x4000  }
0x5b: {  	[sflag:s18] =	ssyncset.done $0x0  }
0x5c: {  	[sflag:s18] =	ssyncadd.s32 $0xFFFFC000  }
0x5d: {  	_ =	swait.ge [sflag:s19], $0x4000  }
0x5e: {  	[sflag:s19] =	ssyncset.done $0x0  }
0x5f: {  	[sflag:s19] =	ssyncadd.s32 $0xFFFFC000  }
0x60: {  	[hbm4b:s9+s31] =	stream.linear.scatter [tilespmem:s16], [sflag:$0x3], $0x4000, $0x38;
	[tilespmem:$0xC180] =	vst v63  }
0x61: {  	_ =	swait.ge [sflag:s14], $0x4000  }
0x62: {  	s6 =	sadd.s32 @p0 $0x800, s8;
	s8 =	smov.u32 s0;
	[sflag:s14] =	ssyncset.done $0x0  }
0x63: {  	s8 =	smov.u32 @p0 s6;
	[sflag:s14] =	ssyncadd.s32 $0xFFFFC000  }
0x64: {  	[hbm4b:s8+s31] =	stream.linear.scatter [tilespmem:s17], [sflag:$0x3], $0x4000, $0x38;
	[tilespmem:$0xC180] =	vst v63  }
0x65: {  	_ =	swait.ge [sflag:s14], $0x4000  }
0x66: {  	[sflag:s14] =	ssyncset.done $0x0  }
0x67: {  	s6 =	rddreg [dreg:$0x5];
	[sflag:s14] =	ssyncadd.s32 $0xFFFFC000  }
.LBB2_6:
0x68: {  	s8 =	sadd.s32 s31, s13  }
0x69: {  	[tilespmem:s20], [sflag:$0x3] =	stream.linear.gather [hbm4b:s8+s2], $0x40, $0x38;
	[tilespmem:$0xC180] =	vst v63  }
0x6a: {  	_ =	swait.ge [sflag:s14], $0x40  }
0x6b: {  	[sflag:s14] =	ssyncset.done $0x0  }
0x6c: {  	[sflag:s14] =	ssyncadd.s32 $0xFFFFFFC0  }
0x6d: {  	v3 =	vld [tilespmem:$0x100];
	_ =	sdelay $0x4  }
0x6e: {  	v4 =	vshll.u32 v3, $0x1  }
0x6f: {  	v3 =	vand.u32 $0x7, v3;
	v4 =	vand.u32 $0xFFFFFFF0, v4  }
0x70: {  	v3 =	vor.u32 v3, v4  }
0x71: {  	v4 =	vperm.xlane v3, v0;
	_ =	sdelay $0x1  }
0x72: {  	v3 =	vperm.xlane v3, v2;
	v4 =	vadd.s32 v1, v4;
	_ =	sdelay $0x1  }
0x73: {  	v3 =	vadd.s32 v1, v3;
	_ =	sdelay $0x2  }
0x74: {  	[tilespmem:s21], [sflag:$0x1] =	stream.indirect_vreg.gather [hbm4b:s5+s2], $0x80, v4, vm0, $0xb8;
	[tilespmem:$0xC180] =	vst v63  }
0x75: {  	_ = 	snop  }
0x76: {  	[tilespmem:s22], [sflag:$0x1] =	stream.indirect_vreg.gather [hbm4b:s5+s2], $0x80, v3, vm0, $0xb8;
	[tilespmem:$0xC180] =	vst v63  }
0x77: {  	v3 =	vld [tilespmem:$0x110];
	_ =	sdelay $0x4  }
0x78: {  	v61 =	vshll.u32 v3, $0x1  }
0x79: {  	v3 =	vand.u32 $0x7, v3;
	v4 =	vand.u32 $0xFFFFFFF0, v61  }
0x7a: {  	v3 =	vor.u32 v3, v4  }
0x7b: {  	v4 =	vperm.xlane v3, v0;
	_ =	sdelay $0x1  }
0x7c: {  	v3 =	vperm.xlane v3, v2;
	v4 =	vadd.s32 v1, v4;
	_ =	sdelay $0x1  }
0x7d: {  	v3 =	vadd.s32 v1, v3;
	_ =	sdelay $0x2  }
0x7e: {  	[tilespmem:s23], [sflag:$0x1] =	stream.indirect_vreg.gather [hbm4b:s5+s2], $0x80, v4, vm0, $0xb8;
	[tilespmem:$0xC180] =	vst v63  }
0x7f: {  	_ = 	snop  }
0x80: {  	[tilespmem:s24], [sflag:$0x1] =	stream.indirect_vreg.gather [hbm4b:s5+s2], $0x80, v3, vm0, $0xb8;
	[tilespmem:$0xC180] =	vst v63  }
0x81: {  	v3 =	vld [tilespmem:$0x120];
	_ =	sdelay $0x4  }
0x82: {  	v62 =	vshll.u32 v3, $0x1  }
0x83: {  	v3 =	vand.u32 $0x7, v3;
	v4 =	vand.u32 $0xFFFFFFF0, v62  }
0x84: {  	v3 =	vor.u32 v3, v4  }
0x85: {  	v4 =	vperm.xlane v3, v0;
	_ =	sdelay $0x1  }
0x86: {  	v3 =	vperm.xlane v3, v2;
	v4 =	vadd.s32 v1, v4;
	_ =	sdelay $0x1  }
0x87: {  	v3 =	vadd.s32 v1, v3;
	_ =	sdelay $0x2  }
0x88: {  	[tilespmem:s25], [sflag:$0x1] =	stream.indirect_vreg.gather [hbm4b:s5+s2], $0x80, v4, vm0, $0xb8;
	[tilespmem:$0xC180] =	vst v63  }
0x89: {  	_ = 	snop  }
0x8a: {  	[tilespmem:s26], [sflag:$0x1] =	stream.indirect_vreg.gather [hbm4b:s5+s2], $0x80, v3, vm0, $0xb8;
	[tilespmem:$0xC180] =	vst v63  }
0x8b: {  	v3 =	vld [tilespmem:$0x130];
	_ =	sdelay $0x4  }
0x8c: {  	v63 =	vshll.u32 v3, $0x1  }
0x8d: {  	v3 =	vand.u32 $0x7, v3;
	v4 =	vand.u32 $0xFFFFFFF0, v63  }
0x8e: {  	v3 =	vor.u32 v3, v4  }
0x8f: {  	v4 =	vperm.xlane v3, v0;
	_ =	sdelay $0x1  }
0x90: {  	v3 =	vperm.xlane v3, v2;
	v4 =	vadd.s32 v1, v4;
	_ =	sdelay $0x1  }
0x91: {  	v3 =	vadd.s32 v1, v3;
	_ =	sdelay $0x2  }
0x92: {  	[tilespmem:s28], [sflag:$0x1] =	stream.indirect_vreg.gather [hbm4b:s5+s2], $0x80, v4, vm0, $0xb8;
	[tilespmem:$0xC180] =	vst v63  }
0x93: {  	_ = 	snop  }
0x94: {  	[tilespmem:s29], [sflag:$0x1] =	stream.indirect_vreg.gather [hbm4b:s5+s2], $0x80, v3, vm0, $0xb8;
	[tilespmem:$0xC180] =	vst v63  }
0x95: {  	_ =	swait.ge [sflag:s18], $0x4000  }
0x96: {  	p0 =	sne.s32 s31, $0x20;
	[sflag:s18] =	ssyncset.done $0x0  }
.Ltmp3:
0x97: {  	[sflag:s18] =	ssyncadd.s32 $0xFFFFC000;
	(pc) =	sbr.rel @p0 .LBB2_6-.Ltmp3, $4  }
0x98: {  	[hbm4b:s6+s2] =	stream.linear.scatter [tilespmem:s21], [sflag:$0x3], $0x4000, $0x38;
	[tilespmem:$0xC180] =	vst v63  }
0x99: {  	_ =	swait.ge [sflag:s14], $0x4000  }
0x9a: {  	[sflag:s14] =	ssyncset.done $0x0  }
0x9b: {  	s31 =	sadd.s32 $0x8, s31;
	s6 =	sadd.s32 $0x800, s6;
	[sflag:s14] =	ssyncadd.s32 $0xFFFFC000  }
0x9c: {  	s30 =	sadd.s32 $0x1, s30;
	s6 =	rddreg [dreg:$0x4]  }
0x9d: {  	p0 =	sne.s32 s30, s6  }
.Ltmp4:
0x9e: {  	_ = 	snop;
	(pc) =	sbr.rel @p0 .LBB2_1-.Ltmp4, $4  }
.Ltmp5:
0x9f: {  	_ = 	snop;
	(pc) =	sbr.rel @!p0 .LBB2_8-.Ltmp5, $4  }
0xa0: {  	_ = 	snop  }
0xa1: {  	_ = 	snop  }
0xa2: {  	_ = 	snop  }
0xa3: {  	_ = 	snop  }
.LBB2_3:
.Ltmp6:
0xa4: {  	(pc) =	sbr.rel .LBB2_5-.Ltmp6, $2  }
0xa5: {  	_ =	sdelay $0x2  }
0xa6: {  	s8 =	smov.u32 s0  }
.LBB2_8:
0xa7: {  	_ =	sfence.sel $0x180000  }
0xa8: {  	[bflag:$0x0] =	sbarrier.arrive $0xFFFF  }
0xa9: {  	_ =	strace $0x90000047  }
0xaa: {  	s0 =	stileid.u32;
	[bflag:$0x2] =	sbarrier.arrive $0xFFFF  }
0xab: {  	p0 =	sne.s32 s0, $0x0;
	s0 =	rddreg [dreg:$0x2]  }
0xac: {  	s0 =	sadd.s32 @!p0 $0x100000, s0  }
0xad: {  	[sflag:s0] =	ssyncadd.tile.s32 @!p0 $0x1;
	_ =	shalt  }
.Lfunc_end2:
_tile_overlayer_lowered:
.L_overlay_start_2:
0xae: {  	(tag) =	ssettag $0x2  }
0xaf: {  	s0 =	rddreg [dreg:$0x0];
	s2 =	stileid.u32  }
0xb0: {  	s1 =	rddreg [dreg:$0x1];
	p0 =	sne.s32 s2, $0x0  }
0xb1: {  	s3 =	rddreg [dreg:$0x2];
	[bflag:$0x3] =	sbarrier.arrive $0xFFFF;
	s2 =	simm.s32 @!p0 $0x1C03  }
0xb2: {  	[timem:s3], [sflag:s2] =	dma.local @!p0 [hbm:s0], s1  }
0xb3: {  	s0 =	simm.s32 @!p0 $0x3  }
0xb4: {  	_ =	swait.ge @!p0 [sflag:s0], s1  }
0xb5: {  	s1 =	ssub.s32 @!p0 $0x0, s1;
	[sflag:s0] =	ssyncset.done @!p0 $0x0  }
0xb6: {  	[sflag:s0] =	ssyncadd.s32 @!p0 s1  }
0xb7: {  	[bflag:$0x3] =	sbarrier.arrive $0xFFFF  }
0xb8: {  	_ =	shalt  }

</sc_bundles>
